<compile_context>
chip_gen: v7x
topology: tpu7x:2x2x1
jax: 0.10.2.dev20260603
libtpu: 0.0.44.dev20260713+nightly
codegen_flags: <defaults>
</compile_context>

<pallas_src>
import functools

import jax
import jax.numpy as jnp
from jax import lax
from jax.experimental import pallas as pl
from jax.experimental.pallas import tpu as pltpu
from jax.experimental.pallas import tpu_sc as plsc

N = 50000
E = 800000
B = 512
DF = 78
H = 300
FF = 1024
OUT = 128

NC = 2
NS = 16
LANES = 16

EDGE_SENTINEL = 1 << 29
EP = 819200
DEG_CHUNK = EP // (NC * NS)
SUB = 6400
NSUB_DEG = DEG_CHUNK // SUB
NVREG = SUB // LANES

SCAT_CHUNK = EP // NS
SSUB = 2048
NSUB_SCAT = SCAT_CHUNK // SSUB
SVREG = SSUB // LANES
CHUNK = 32
CSH = 5
KROWS = SSUB // CHUNK

NBLK = 14
NBS = 3840
NP = NBLK * NBS
BLK_PER_SC = NBLK // NC
STRIPE = NBS // NS
HP = 384
SC_TILING_TC = False

BM = 1000
NGRID = N // BM


def _sc_mesh():
  return plsc.VectorSubcoreMesh(
      core_axis_name="c", subcore_axis_name="s", num_cores=NC,
      num_subcores=NS)


def _deg_body(dst_hbm, zeros_hbm, deg_out, acc, dst_sub):
  c = lax.axis_index("c")
  s = lax.axis_index("s")
  wid = c * NS + s
  ones16 = jnp.ones((LANES,), jnp.float32)
  pltpu.sync_copy(zeros_hbm, acc)

  def sub_body(u, _):
    base = wid * DEG_CHUNK + u * SUB
    pltpu.sync_copy(dst_hbm.at[pl.ds(base, SUB)], dst_sub)

    def vec_body(i, _):
      d16 = dst_sub[pl.ds(i * LANES, LANES)]
      idx = jnp.minimum(d16, N)
      plsc.addupdate_scatter(acc, [idx], ones16)
      return 0

    lax.fori_loop(0, NVREG, vec_body, 0)
    return 0

  lax.fori_loop(0, NSUB_DEG, sub_body, 0)
  pltpu.sync_copy(acc, deg_out.at[wid])


def _deg_counts(dst_pad, zeros_n1):
  kfn = pl.kernel(
      _deg_body,
      out_type=jax.ShapeDtypeStruct((NC * NS, N + 1), jnp.float32),
      mesh=_sc_mesh(),
      scratch_types=[
          pltpu.VMEM((N + 1,), jnp.float32),
          pltpu.VMEM((SUB,), jnp.int32),
      ],
      compiler_params=pltpu.CompilerParams(needs_layout_passes=False),
  )
  return kfn(dst_pad, zeros_n1)


def _scatter_body(g_hbm, src_hbm, dst_hbm, zrows_hbm, s_out,
                  acc, src_sub, dst_sub, gsrc_idx, sdst_idx, rb0, rb1,
                  sem0, sem1):
  c = lax.axis_index("c")
  s = lax.axis_index("s")

  def blk_body(kb, _):
    blk = c * BLK_PER_SC + kb
    lo = blk * NBS
    hi = lo + NBS

    pltpu.sync_copy(zrows_hbm, acc.at[pl.ds(s * STRIPE, STRIPE)])
    plsc.subcore_barrier()

    def sub_body(u, _):
      base = s * SCAT_CHUNK + u * SSUB
      pltpu.sync_copy(src_hbm.at[pl.ds(base, SSUB)], src_sub)
      pltpu.sync_copy(dst_hbm.at[pl.ds(base, SSUB)], dst_sub)

      def compact(i, n):
        s16 = src_sub[pl.ds(i * LANES, LANES)]
        d16 = dst_sub[pl.ds(i * LANES, LANES)]
        m = (d16 >= lo) & (d16 < hi)
        inc = m.astype(jnp.int32)
        cs = plsc.cumsum(inc)
        pos = (cs - inc) + n
        row = lax.shift_right_logical(pos, CSH)
        col = lax.bitwise_and(pos, CHUNK - 1)
        plsc.store_scatter(gsrc_idx, [row, col], s16, mask=m)
        plsc.store_scatter(sdst_idx, [row, col], d16 - lo, mask=m)
        return n + jnp.sum(inc)

      n = lax.fori_loop(0, SVREG, compact, jnp.int32(0))
      nch = (n + CHUNK - 1) >> CSH

      iota16 = lax.iota(jnp.int32, LANES)
      zero16 = jnp.zeros((LANES,), jnp.int32)
      trash16 = jnp.full((LANES,), NBS, jnp.int32) + s

      def pad_body(t, _):
        p = n + t * LANES + iota16
        m = p < (nch << CSH)
        row = lax.shift_right_logical(p, CSH)
        col = lax.bitwise_and(p, CHUNK - 1)
        plsc.store_scatter(gsrc_idx, [row, col], zero16, mask=m)
        plsc.store_scatter(sdst_idx, [row, col], trash16, mask=m)
        return 0
      lax.fori_loop(0, CHUNK // LANES, pad_body, 0)

      @pl.when(nch > 0)
      def _():
        pltpu.async_copy(g_hbm.at[gsrc_idx.at[0]], rb0, sem0)

      def pair(q, _):
        j0 = 2 * q
        j1 = j0 + 1

        @pl.when(j1 < nch)
        def _():
          pltpu.async_copy(g_hbm.at[gsrc_idx.at[j1]], rb1, sem1)

        pltpu.make_async_copy(g_hbm.at[gsrc_idx.at[j0]], rb0, sem0).wait()
        pltpu.sync_copy(rb0, acc.at[sdst_idx.at[j0]], add=True)

        @pl.when(j1 < nch)
        def _():
          @pl.when(j1 + 1 < nch)
          def _():
            pltpu.async_copy(g_hbm.at[gsrc_idx.at[j1 + 1]], rb0, sem0)
          pltpu.make_async_copy(g_hbm.at[gsrc_idx.at[j1]], rb1, sem1).wait()
          pltpu.sync_copy(rb1, acc.at[sdst_idx.at[j1]], add=True)
        return 0

      lax.fori_loop(0, (nch + 1) >> 1, pair, 0)
      return 0

    lax.fori_loop(0, NSUB_SCAT, sub_body, 0)
    plsc.subcore_barrier()

    r = s * STRIPE
    pltpu.sync_copy(acc.at[pl.ds(r, STRIPE)], s_out.at[pl.ds(lo + r, STRIPE)])
    plsc.subcore_barrier()
    return 0

  lax.fori_loop(0, BLK_PER_SC, blk_body, 0)


def _edge_scatter(g, src_pad, dst_pad, zrows):
  kfn = pl.kernel(
      _scatter_body,
      out_type=jax.ShapeDtypeStruct((NP, HP), jnp.float32),
      mesh=_sc_mesh(),
      scratch_types=[
          pltpu.VMEM_SHARED((NBS + NS, HP), jnp.float32),
          pltpu.VMEM((SSUB,), jnp.int32),
          pltpu.VMEM((SSUB,), jnp.int32),
          pltpu.VMEM((KROWS, CHUNK), jnp.int32),
          pltpu.VMEM((KROWS, CHUNK), jnp.int32),
          pltpu.VMEM((CHUNK, HP), jnp.float32),
          pltpu.VMEM((CHUNK, HP), jnp.float32),
          pltpu.SemaphoreType.DMA,
          pltpu.SemaphoreType.DMA,
      ],
      compiler_params=pltpu.CompilerParams(
          needs_layout_passes=False, use_tc_tiling_on_sc=SC_TILING_TC),
  )
  return kfn(g, src_pad, dst_pad, zrows)


def _g1_body(x_ref, w1_ref, degp_ref, g1_ref, dinv_ref):
  deg = degp_ref[...]
  ones = jnp.ones((NC * NS, 1), jnp.float32)
  dsum = jnp.dot(deg, ones, preferred_element_type=jnp.float32)
  dinv = lax.rsqrt(dsum + 1.0)
  h = jnp.dot(x_ref[...], w1_ref[...], preferred_element_type=jnp.float32)
  g1_ref[...] = dinv * h
  dinv_ref[...] = dinv


def _g1_kernel(x, w1, degp):
  return pl.pallas_call(
      _g1_body,
      grid=(NGRID,),
      in_specs=[
          pl.BlockSpec((BM, DF), lambda i: (i, 0)),
          pl.BlockSpec((DF, HP), lambda i: (0, 0)),
          pl.BlockSpec((BM, NC * NS), lambda i: (i, 0)),
      ],
      out_specs=[
          pl.BlockSpec((BM, HP), lambda i: (i, 0)),
          pl.BlockSpec((BM, 1), lambda i: (i, 0)),
      ],
      out_shape=[
          jax.ShapeDtypeStruct((N, HP), jnp.float32),
          jax.ShapeDtypeStruct((N, 1), jnp.float32),
      ],
      compiler_params=pltpu.CompilerParams(
          dimension_semantics=("parallel",)),
  )(x, w1, degp)


def _g2_body(s1_ref, g1_ref, dinv_ref, b1_ref, w2_ref, g2_ref):
  dinv = dinv_ref[...]
  y1 = jnp.maximum(dinv * (s1_ref[...] + g1_ref[...]) + b1_ref[...], 0.0)
  h = jnp.dot(y1, w2_ref[...], preferred_element_type=jnp.float32)
  g2_ref[...] = dinv * h


def _g2_kernel(s1, g1, dinv, b1r, w2):
  return pl.pallas_call(
      _g2_body,
      grid=(NGRID,),
      in_specs=[
          pl.BlockSpec((BM, HP), lambda i: (i, 0)),
          pl.BlockSpec((BM, HP), lambda i: (i, 0)),
          pl.BlockSpec((BM, 1), lambda i: (i, 0)),
          pl.BlockSpec((1, HP), lambda i: (0, 0)),
          pl.BlockSpec((HP, HP), lambda i: (0, 0)),
      ],
      out_specs=pl.BlockSpec((BM, HP), lambda i: (i, 0)),
      out_shape=jax.ShapeDtypeStruct((N, HP), jnp.float32),
      compiler_params=pltpu.CompilerParams(
          dimension_semantics=("parallel",)),
  )(s1, g1, dinv, b1r, w2)


def _pool_body(s2_ref, g2_ref, dinv_ref, b2_ref, batch_ref,
               w3_ref, b3_ref, w4_ref, b4_ref, out_ref, pooled):
  i = pl.program_id(0)

  @pl.when(i == 0)
  def _():
    pooled[...] = jnp.full((B, HP), -1e30, jnp.float32)

  dinv = dinv_ref[...]
  y2 = jnp.maximum(dinv * (s2_ref[...] + g2_ref[...]) + b2_ref[...], 0.0)
  bvec = batch_ref[...]
  g_first = bvec[0, 0]
  g_last = bvec[BM - 1, 0]

  def seg_body(g, _):
    m = bvec == g
    part = jnp.max(jnp.where(m, y2, -1e30), axis=0, keepdims=True)
    cur = pooled[pl.ds(g, 1), :]
    pooled[pl.ds(g, 1), :] = jnp.maximum(cur, part)
    return 0

  lax.fori_loop(g_first, g_last + 1, seg_body, 0)

  @pl.when(i == NGRID - 1)
  def _():
    p = jnp.maximum(pooled[...], 0.0)
    h3 = jnp.maximum(
        jnp.dot(p, w3_ref[...], preferred_element_type=jnp.float32)
        + b3_ref[...], 0.0)
    o = jnp.maximum(
        jnp.dot(h3, w4_ref[...], preferred_element_type=jnp.float32)
        + b4_ref[...], 0.0)
    out_ref[...] = o


def _pool_kernel(s2, g2, dinv, b2r, batch2d, w3, b3r, w4, b4r):
  return pl.pallas_call(
      _pool_body,
      grid=(NGRID,),
      in_specs=[
          pl.BlockSpec((BM, HP), lambda i: (i, 0)),
          pl.BlockSpec((BM, HP), lambda i: (i, 0)),
          pl.BlockSpec((BM, 1), lambda i: (i, 0)),
          pl.BlockSpec((1, HP), lambda i: (0, 0)),
          pl.BlockSpec((BM, 1), lambda i: (i, 0)),
          pl.BlockSpec((HP, FF), lambda i: (0, 0)),
          pl.BlockSpec((1, FF), lambda i: (0, 0)),
          pl.BlockSpec((FF, OUT), lambda i: (0, 0)),
          pl.BlockSpec((1, OUT), lambda i: (0, 0)),
      ],
      out_specs=pl.BlockSpec((B, OUT), lambda i: (0, 0)),
      out_shape=jax.ShapeDtypeStruct((B, OUT), jnp.float32),
      scratch_shapes=[pltpu.VMEM((B, HP), jnp.float32)],
      compiler_params=pltpu.CompilerParams(
          dimension_semantics=("arbitrary",)),
  )(s2, g2, dinv, b2r, batch2d, w3, b3r, w4, b4r)


def kernel(x, edge_index, batch, W1, b1, W2, b2, W3, b3, W4, b4):
  src = edge_index[0]
  dst = edge_index[1]
  pad = EP - E
  src_pad = jnp.concatenate([src, jnp.zeros((pad,), jnp.int32)])
  dst_pad = jnp.concatenate(
      [dst, jnp.full((pad,), EDGE_SENTINEL, jnp.int32)])
  zeros_n1 = jnp.zeros((N + 1,), jnp.float32)
  zrows = jnp.zeros((STRIPE, HP), jnp.float32)
  batch2d = batch.reshape(N, 1)
  hpad = HP - H
  W1p = jnp.pad(W1, ((0, 0), (0, hpad)))
  W2p = jnp.pad(W2, ((0, hpad), (0, hpad)))
  W3p = jnp.pad(W3, ((0, hpad), (0, 0)))
  b1r = jnp.pad(b1, (0, hpad)).reshape(1, HP)
  b2r = jnp.pad(b2, (0, hpad)).reshape(1, HP)
  b3r = b3.reshape(1, FF)
  b4r = b4.reshape(1, OUT)

  degp = _deg_counts(dst_pad, zeros_n1)
  degp_t = degp.T[:N]
  g1, dinv = _g1_kernel(x, W1p, degp_t)
  s1 = _edge_scatter(g1, src_pad, dst_pad, zrows)
  g2 = _g2_kernel(s1[:N], g1, dinv, b1r, W2p)
  s2 = _edge_scatter(g2, src_pad, dst_pad, zrows)
  return _pool_kernel(s2[:N], g2, dinv, b2r, batch2d, W3p, b3r, W4, b4r)

# --- scband reference (transcript-rebuilt; emitter-appended) ---
"""Pipeline reference for scband-drug-gcnncoder-25434796327024 (READ-ONLY COPY).

The authoritative reference and input builder live on the scoring server;
editing this copy changes nothing except your own understanding.
"""

import jax, jax.numpy as jnp
import numpy as np

N = 50000
E = 800000
B = 512
DF = 78
H = 300
FF = 1024
OUT = 128


def setup_inputs(seed: int = 0) -> dict:
    key = jax.random.key(seed)
    ks = jax.random.split(key, 12)
    x = jax.random.normal(ks[0], (N, DF), dtype=jnp.float32)
    edge_index = jax.random.randint(ks[1], (2, E), 0, N, dtype=jnp.int32)
    batch = jnp.sort(jax.random.randint(ks[2], (N,), 0, B, dtype=jnp.int32))
    # GCNConv weights (PyG: glorot weight + zero bias; use scaled normal here)
    W1 = jax.random.normal(ks[3], (DF, H), dtype=jnp.float32) * (1.0 / np.sqrt(DF))
    b1 = jnp.zeros((H,), dtype=jnp.float32)
    W2 = jax.random.normal(ks[4], (H, H), dtype=jnp.float32) * (1.0 / np.sqrt(H))
    b2 = jnp.zeros((H,), dtype=jnp.float32)
    # MLP head
    W3 = jax.random.normal(ks[5], (H, FF), dtype=jnp.float32) * (1.0 / np.sqrt(H))
    b3 = jnp.zeros((FF,), dtype=jnp.float32)
    W4 = jax.random.normal(ks[6], (FF, OUT), dtype=jnp.float32) * (1.0 / np.sqrt(FF))
    b4 = jnp.zeros((OUT,), dtype=jnp.float32)
    return {"x": x, "edge_index": edge_index, "batch": batch,
            "W1": W1, "b1": b1, "W2": W2, "b2": b2,
            "W3": W3, "b3": b3, "W4": W4, "b4": b4}


def gcn_conv(x, src, dst, W, b, num_nodes):
    # x' = D^{-1/2} (A + I) D^{-1/2} (x W) + b  (PyG GCNConv with add_self_loops=True)
    h = x @ W
    loop = jnp.arange(num_nodes, dtype=src.dtype)
    src2 = jnp.concatenate([src, loop])
    dst2 = jnp.concatenate([dst, loop])
    deg = jnp.zeros((num_nodes,), dtype=h.dtype).at[dst2].add(1.0)
    dinv = jnp.where(deg > 0, jax.lax.rsqrt(deg), 0.0)
    norm = dinv[src2] * dinv[dst2]
    msg = norm[:, None] * jnp.take(h, src2, axis=0)
    out = jnp.zeros((num_nodes, h.shape[1]), dtype=h.dtype).at[dst2].add(msg)
    return out + b


def global_max_pool(x, batch, num_graphs):
    pooled = jax.ops.segment_max(x, batch, num_segments=num_graphs)
    return jnp.where(jnp.isneginf(pooled), 0.0, pooled)


def reference(x, edge_index, batch, W1, b1, W2, b2, W3, b3, W4, b4):
    src = edge_index[0]
    dst = edge_index[1]
    x_d = jax.nn.relu(gcn_conv(x, src, dst, W1, b1, N))
    x_d = jax.nn.relu(gcn_conv(x_d, src, dst, W2, b2, N))
    x_d = global_max_pool(x_d, batch, B)
    # drug_embed MLP (dropout is identity in eval mode)
    x_d = jax.nn.relu(x_d @ W3 + b3)
    x_d = jax.nn.relu(x_d @ W4 + b4)
    return x_d

if __name__ == "__main__":
    import jax
    _d = setup_inputs()
    print(jax.jit(kernel)(*tuple(_d.values())))

</pallas_src>

<mosaic_0001>
#map = affine_map<(d0, d1) -> (0)>
#map1 = affine_map<(d0, d1) -> (0, 0)>
module attributes {stable_mosaic.version = 14 : i64} {
  func.func @_deg_body(%arg0: i32, %arg1: i32, %arg2: memref<819200xi32, #tpu.memory_space<hbm>>, %arg3: memref<50001xf32, #tpu.memory_space<hbm>>, %arg4: memref<32x50001xf32, #tpu.memory_space<hbm>>, %arg5: memref<50001xf32, #tpu.memory_space<vmem>>, %arg6: memref<6400xi32, #tpu.memory_space<vmem>>) attributes {dimension_semantics = [#tpu.dimension_semantics<core_parallel>, #tpu.dimension_semantics<subcore_parallel>], iteration_bounds = array<i64: 2, 16>, scalar_prefetch = 0 : i64, scratch_operands = 2 : i64, tpu.core_type = #tpu.core_type<sc_vector_subcore>, window_params = [{transform_indices = #map}, {transform_indices = #map}, {transform_indices = #map1}]} {
    %mul3A = arith.constant 16 : i32
    %mul3A_0 = arith.muli %arg0, %mul3A : i32
    %add3A = arith.addi %mul3A_0, %arg1 : i32
    %broadcast_in_dim3A = arith.constant 1.000000e+00 : f32
    %broadcast_in_dim3A_1 = vector.broadcast %broadcast_in_dim3A : f32 to vector<16xf32>
    "tpu.region"() ({
      %run_scoped3A = tpu.sem_alloc : memref<!tpu.dma_semaphore, #tpu.memory_space<semaphore_mem>>
      tpu.enqueue_dma source(%arg3 : memref<50001xf32, #tpu.memory_space<hbm>>) target(%arg5 : memref<50001xf32, #tpu.memory_space<vmem>>) target_semaphore(%run_scoped3A : memref<!tpu.dma_semaphore, #tpu.memory_space<semaphore_mem>>)
      tpu.wait_dma2 semaphore(%run_scoped3A : memref<!tpu.dma_semaphore, #tpu.memory_space<semaphore_mem>>) src(%arg3 : memref<50001xf32, #tpu.memory_space<hbm>>) dst(%arg5 : memref<50001xf32, #tpu.memory_space<vmem>>)
      tpu.yield
    }) : () -> ()
    %scan3A = arith.constant 0 : i32
    %scan3A_2 = arith.constant 0 : i32
    %scan3A_3 = arith.constant 4 : i32
    %scan3A_4 = arith.addi %scan3A_2, %scan3A_3 : i32
    %scan3A_5 = arith.constant 1 : i32
    %scan3A_6 = scf.for %scan3A_8 = %scan3A_2 to %scan3A_4 step %scan3A_5 iter_args(%scan3A_9 = %scan3A) -> (i32)  : i32 {
      %mul3A_10 = arith.constant 25600 : i32
      %mul3A_11 = arith.muli %add3A, %mul3A_10 : i32
      %mul3A_12 = arith.constant 6400 : i32
      %mul3A_13 = arith.muli %scan3A_8, %mul3A_12 : i32
      %add3A_14 = arith.addi %mul3A_11, %mul3A_13 : i32
      "tpu.region"() ({
        %run_scoped3A = tpu.sem_alloc : memref<!tpu.dma_semaphore, #tpu.memory_space<semaphore_mem>>
        %dma_start3A = tpu.memref_slice %arg2[%add3A_14] : memref<819200xi32, #tpu.memory_space<hbm>> -> memref<6400xi32, #tpu.memory_space<hbm>>
        %dma_start3A_23 = tpu.memref_slice %arg2[%add3A_14] : memref<819200xi32, #tpu.memory_space<hbm>> -> memref<6400xi32, #tpu.memory_space<hbm>>
        tpu.enqueue_dma source(%dma_start3A_23 : memref<6400xi32, #tpu.memory_space<hbm>>) target(%arg6 : memref<6400xi32, #tpu.memory_space<vmem>>) target_semaphore(%run_scoped3A : memref<!tpu.dma_semaphore, #tpu.memory_space<semaphore_mem>>)
        %dma_wait3A = tpu.memref_slice %arg2[%add3A_14] : memref<819200xi32, #tpu.memory_space<hbm>> -> memref<6400xi32, #tpu.memory_space<hbm>>
        %dma_wait3A_24 = tpu.memref_slice %arg2[%add3A_14] : memref<819200xi32, #tpu.memory_space<hbm>> -> memref<6400xi32, #tpu.memory_space<hbm>>
        tpu.wait_dma2 semaphore(%run_scoped3A : memref<!tpu.dma_semaphore, #tpu.memory_space<semaphore_mem>>) src(%dma_wait3A_24 : memref<6400xi32, #tpu.memory_space<hbm>>) dst(%arg6 : memref<6400xi32, #tpu.memory_space<vmem>>)
        tpu.yield
      }) : () -> ()
      %scan3A_15 = arith.constant 0 : i32
      %scan3A_16 = arith.constant 0 : i32
      %scan3A_17 = arith.constant 400 : i32
      %scan3A_18 = arith.addi %scan3A_16, %scan3A_17 : i32
      %scan3A_19 = arith.constant 1 : i32
      %scan3A_20 = scf.for %scan3A_23 = %scan3A_16 to %scan3A_18 step %scan3A_19 iter_args(%scan3A_24 = %scan3A_15) -> (i32)  : i32 {
        %mul3A_25 = arith.constant 16 : i32
        %mul3A_26 = arith.muli %scan3A_23, %mul3A_25 : i32
        %get3A = arith.index_cast %mul3A_26 : i32 to index
        %get3A_27 = tpu.vector_load %arg6[%get3A] {strides = array<i32>} : memref<6400xi32, #tpu.memory_space<vmem>>, vector<16xi32>,
        %min3A = arith.constant 50000 : i32
        %min3A_28 = vector.broadcast %min3A : i32 to vector<16xi32>
        %min3A_29 = arith.minsi %get3A_27, %min3A_28 : vector<16xi32>
        tpu.vector_store_idx %arg5[%min3A_29], %broadcast_in_dim3A_1 {add = true} : memref<50001xf32, #tpu.memory_space<vmem>>[vector<16xi32>], vector<16xf32>,
        %scan3A_30 = arith.constant 0 : i32
        scf.yield %scan3A_30 : i32
      }
      %scan3A_21 = arith.constant 400 : i32
      %scan3A_22 = arith.constant 0 : i32
      scf.yield %scan3A_22 : i32
    }
    %scan3A_7 = arith.constant 4 : i32
    "tpu.region"() ({
      %run_scoped3A = tpu.sem_alloc : memref<!tpu.dma_semaphore, #tpu.memory_space<semaphore_mem>>
      %dma_start3A = arith.constant 0 : i32
      %dma_start3A_8 = tpu.memref_slice %arg4[%add3A, %dma_start3A] : memref<32x50001xf32, #tpu.memory_space<hbm>> -> memref<1x50001xf32, #tpu.memory_space<hbm>>
      %dma_start3A_9 = tpu.memref_squeeze %dma_start3A_8 : memref<1x50001xf32, #tpu.memory_space<hbm>> -> memref<50001xf32, #tpu.memory_space<hbm>>
      %dma_start3A_10 = arith.constant 0 : i32
      %dma_start3A_11 = tpu.memref_slice %arg4[%add3A, %dma_start3A_10] : memref<32x50001xf32, #tpu.memory_space<hbm>> -> memref<1x50001xf32, #tpu.memory_space<hbm>>
      %dma_start3A_12 = tpu.memref_squeeze %dma_start3A_11 : memref<1x50001xf32, #tpu.memory_space<hbm>> -> memref<50001xf32, #tpu.memory_space<hbm>>
      tpu.enqueue_dma source(%arg5 : memref<50001xf32, #tpu.memory_space<vmem>>) target(%dma_start3A_12 : memref<50001xf32, #tpu.memory_space<hbm>>) target_semaphore(%run_scoped3A : memref<!tpu.dma_semaphore, #tpu.memory_space<semaphore_mem>>)
      %dma_wait3A = arith.constant 0 : i32
      %dma_wait3A_13 = tpu.memref_slice %arg4[%add3A, %dma_wait3A] : memref<32x50001xf32, #tpu.memory_space<hbm>> -> memref<1x50001xf32, #tpu.memory_space<hbm>>
      %dma_wait3A_14 = tpu.memref_squeeze %dma_wait3A_13 : memref<1x50001xf32, #tpu.memory_space<hbm>> -> memref<50001xf32, #tpu.memory_space<hbm>>
      %dma_wait3A_15 = arith.constant 0 : i32
      %dma_wait3A_16 = tpu.memref_slice %arg4[%add3A, %dma_wait3A_15] : memref<32x50001xf32, #tpu.memory_space<hbm>> -> memref<1x50001xf32, #tpu.memory_space<hbm>>
      %dma_wait3A_17 = tpu.memref_squeeze %dma_wait3A_16 : memref<1x50001xf32, #tpu.memory_space<hbm>> -> memref<50001xf32, #tpu.memory_space<hbm>>
      tpu.wait_dma2 semaphore(%run_scoped3A : memref<!tpu.dma_semaphore, #tpu.memory_space<semaphore_mem>>) src(%arg5 : memref<50001xf32, #tpu.memory_space<vmem>>) dst(%dma_wait3A_17 : memref<50001xf32, #tpu.memory_space<hbm>>)
      tpu.yield
    }) : () -> ()
    return
  }
}

#map = affine_map<(d0, d1) -> (0, 0)>
#map1 = affine_map<(d0, d1) -> (0)>
module attributes {stable_mosaic.version = 14 : i64} {
  func.func @_scatter_body(%arg0: i32, %arg1: i32, %arg2: memref<50000x384xf32, #tpu.memory_space<hbm>>, %arg3: memref<819200xi32, #tpu.memory_space<hbm>>, %arg4: memref<819200xi32, #tpu.memory_space<hbm>>, %arg5: memref<240x384xf32, #tpu.memory_space<hbm>>, %arg6: memref<53760x384xf32, #tpu.memory_space<hbm>>, %arg7: memref<3856x384xf32, #tpu.memory_space<vmem_shared>>, %arg8: memref<2048xi32, #tpu.memory_space<vmem>>, %arg9: memref<2048xi32, #tpu.memory_space<vmem>>, %arg10: memref<64x32xi32, #tpu.memory_space<vmem>>, %arg11: memref<64x32xi32, #tpu.memory_space<vmem>>, %arg12: memref<32x384xf32, #tpu.memory_space<vmem>>, %arg13: memref<32x384xf32, #tpu.memory_space<vmem>>, %arg14: memref<!tpu.dma_semaphore, #tpu.memory_space<semaphore_mem>>, %arg15: memref<!tpu.dma_semaphore, #tpu.memory_space<semaphore_mem>>) attributes {dimension_semantics = [#tpu.dimension_semantics<core_parallel>, #tpu.dimension_semantics<subcore_parallel>], iteration_bounds = array<i64: 2, 16>, scalar_prefetch = 0 : i64, scratch_operands = 9 : i64, tpu.core_type = #tpu.core_type<sc_vector_subcore>, window_params = [{transform_indices = #map}, {transform_indices = #map1}, {transform_indices = #map1}, {transform_indices = #map}, {transform_indices = #map}]} {
    %scan3A = arith.constant 0 : i32
    %scan3A_0 = arith.constant 0 : i32
    %scan3A_1 = arith.constant 7 : i32
    %scan3A_2 = arith.addi %scan3A_0, %scan3A_1 : i32
    %scan3A_3 = arith.constant 1 : i32
    %scan3A_4 = scf.for %scan3A_6 = %scan3A_0 to %scan3A_2 step %scan3A_3 iter_args(%scan3A_7 = %scan3A) -> (i32)  : i32 {
      %mul3A = arith.constant 7 : i32
      %mul3A_8 = arith.muli %arg0, %mul3A : i32
      %add3A = arith.addi %mul3A_8, %scan3A_6 : i32
      %mul3A_9 = arith.constant 3840 : i32
      %mul3A_10 = arith.muli %add3A, %mul3A_9 : i32
      %add3A_11 = arith.constant 3840 : i32
      %add3A_12 = arith.addi %mul3A_10, %add3A_11 : i32
      %mul3A_13 = arith.constant 240 : i32
      %mul3A_14 = arith.muli %arg1, %mul3A_13 : i32
      "tpu.region"() ({
        %run_scoped3A = tpu.sem_alloc : memref<!tpu.dma_semaphore, #tpu.memory_space<semaphore_mem>>
        %dma_start3A = arith.constant 0 : i32
        %dma_start3A_28 = tpu.memref_slice %arg7[%mul3A_14, %dma_start3A] : memref<3856x384xf32, #tpu.memory_space<vmem_shared>> -> memref<240x384xf32, #tpu.memory_space<vmem_shared>>
        tpu.enqueue_dma source(%arg5 : memref<240x384xf32, #tpu.memory_space<hbm>>) target(%dma_start3A_28 : memref<240x384xf32, #tpu.memory_space<vmem_shared>>) target_semaphore(%run_scoped3A : memref<!tpu.dma_semaphore, #tpu.memory_space<semaphore_mem>>)
        %dma_wait3A = arith.constant 0 : i32
        %dma_wait3A_29 = tpu.memref_slice %arg7[%mul3A_14, %dma_wait3A] : memref<3856x384xf32, #tpu.memory_space<vmem_shared>> -> memref<240x384xf32, #tpu.memory_space<vmem_shared>>
        tpu.wait_dma2 semaphore(%run_scoped3A : memref<!tpu.dma_semaphore, #tpu.memory_space<semaphore_mem>>) src(%arg5 : memref<240x384xf32, #tpu.memory_space<hbm>>) dst(%dma_wait3A_29 : memref<240x384xf32, #tpu.memory_space<vmem_shared>>)
        tpu.yield
      }) : () -> ()
      %barrier3A = arith.constant 0 : index
      tpu.barrier barrier_id(%barrier3A)
      %scan3A_15 = arith.constant 0 : i32
      %scan3A_16 = arith.constant 0 : i32
      %scan3A_17 = arith.constant 25 : i32
      %scan3A_18 = arith.addi %scan3A_16, %scan3A_17 : i32
      %scan3A_19 = arith.constant 1 : i32
      %scan3A_20 = scf.for %scan3A_28 = %scan3A_16 to %scan3A_18 step %scan3A_19 iter_args(%scan3A_29 = %scan3A_15) -> (i32)  : i32 {
        %mul3A_30 = arith.constant 51200 : i32
        %mul3A_31 = arith.muli %arg1, %mul3A_30 : i32
        %mul3A_32 = arith.constant 2048 : i32
        %mul3A_33 = arith.muli %scan3A_28, %mul3A_32 : i32
        %add3A_34 = arith.addi %mul3A_31, %mul3A_33 : i32
        "tpu.region"() ({
          %run_scoped3A = tpu.sem_alloc : memref<!tpu.dma_semaphore, #tpu.memory_space<semaphore_mem>>
          %dma_start3A = tpu.memref_slice %arg3[%add3A_34] : memref<819200xi32, #tpu.memory_space<hbm>> -> memref<2048xi32, #tpu.memory_space<hbm>>
          %dma_start3A_76 = tpu.memref_slice %arg3[%add3A_34] : memref<819200xi32, #tpu.memory_space<hbm>> -> memref<2048xi32, #tpu.memory_space<hbm>>
          tpu.enqueue_dma source(%dma_start3A_76 : memref<2048xi32, #tpu.memory_space<hbm>>) target(%arg8 : memref<2048xi32, #tpu.memory_space<vmem>>) target_semaphore(%run_scoped3A : memref<!tpu.dma_semaphore, #tpu.memory_space<semaphore_mem>>)
          %dma_wait3A = tpu.memref_slice %arg3[%add3A_34] : memref<819200xi32, #tpu.memory_space<hbm>> -> memref<2048xi32, #tpu.memory_space<hbm>>
          %dma_wait3A_77 = tpu.memref_slice %arg3[%add3A_34] : memref<819200xi32, #tpu.memory_space<hbm>> -> memref<2048xi32, #tpu.memory_space<hbm>>
          tpu.wait_dma2 semaphore(%run_scoped3A : memref<!tpu.dma_semaphore, #tpu.memory_space<semaphore_mem>>) src(%dma_wait3A_77 : memref<2048xi32, #tpu.memory_space<hbm>>) dst(%arg8 : memref<2048xi32, #tpu.memory_space<vmem>>)
          tpu.yield
        }) : () -> ()
        "tpu.region"() ({
          %run_scoped3A = tpu.sem_alloc : memref<!tpu.dma_semaphore, #tpu.memory_space<semaphore_mem>>
          %dma_start3A = tpu.memref_slice %arg4[%add3A_34] : memref<819200xi32, #tpu.memory_space<hbm>> -> memref<2048xi32, #tpu.memory_space<hbm>>
          %dma_start3A_76 = tpu.memref_slice %arg4[%add3A_34] : memref<819200xi32, #tpu.memory_space<hbm>> -> memref<2048xi32, #tpu.memory_space<hbm>>
          tpu.enqueue_dma source(%dma_start3A_76 : memref<2048xi32, #tpu.memory_space<hbm>>) target(%arg9 : memref<2048xi32, #tpu.memory_space<vmem>>) target_semaphore(%run_scoped3A : memref<!tpu.dma_semaphore, #tpu.memory_space<semaphore_mem>>)
          %dma_wait3A = tpu.memref_slice %arg4[%add3A_34] : memref<819200xi32, #tpu.memory_space<hbm>> -> memref<2048xi32, #tpu.memory_space<hbm>>
          %dma_wait3A_77 = tpu.memref_slice %arg4[%add3A_34] : memref<819200xi32, #tpu.memory_space<hbm>> -> memref<2048xi32, #tpu.memory_space<hbm>>
          tpu.wait_dma2 semaphore(%run_scoped3A : memref<!tpu.dma_semaphore, #tpu.memory_space<semaphore_mem>>) src(%dma_wait3A_77 : memref<2048xi32, #tpu.memory_space<hbm>>) dst(%arg9 : memref<2048xi32, #tpu.memory_space<vmem>>)
          tpu.yield
        }) : () -> ()
        %scan3A_35 = arith.constant 0 : i32
        %scan3A_36 = arith.constant 0 : i32
        %scan3A_37 = arith.constant 128 : i32
        %scan3A_38 = arith.addi %scan3A_36, %scan3A_37 : i32
        %scan3A_39 = arith.constant 1 : i32
        %scan3A_40 = scf.for %scan3A_76 = %scan3A_36 to %scan3A_38 step %scan3A_39 iter_args(%scan3A_77 = %scan3A_35) -> (i32)  : i32 {
          %mul3A_78 = arith.constant 16 : i32
          %mul3A_79 = arith.muli %scan3A_76, %mul3A_78 : i32
          %get3A = arith.index_cast %mul3A_79 : i32 to index
          %get3A_80 = tpu.vector_load %arg8[%get3A] {strides = array<i32>} : memref<2048xi32, #tpu.memory_space<vmem>>, vector<16xi32>,
          %mul3A_81 = arith.constant 16 : i32
          %mul3A_82 = arith.muli %scan3A_76, %mul3A_81 : i32
          %get3A_83 = arith.index_cast %mul3A_82 : i32 to index
          %get3A_84 = tpu.vector_load %arg9[%get3A_83] {strides = array<i32>} : memref<2048xi32, #tpu.memory_space<vmem>>, vector<16xi32>,
          %ge3A = vector.broadcast %mul3A_10 : i32 to vector<16xi32>
          %ge3A_85 = arith.cmpi sge, %get3A_84, %ge3A : vector<16xi32>
          %lt3A = vector.broadcast %add3A_12 : i32 to vector<16xi32>
          %lt3A_86 = arith.cmpi slt, %get3A_84, %lt3A : vector<16xi32>
          %and3A = arith.andi %ge3A_85, %lt3A_86 : vector<16xi1>
          %convert_element_type3A_87 = arith.extui %and3A : vector<16xi1> to vector<16xi32>
          %broadcast_in_dim3A_88 = arith.constant true
          %broadcast_in_dim3A_89 = vector.broadcast %broadcast_in_dim3A_88 : i1 to vector<16xi1>
          %masked_cumsum3A = tpu.scan <sum>, %convert_element_type3A_87 masked %broadcast_in_dim3A_89 : vector<16xi32>, vector<16xi1> -> vector<16xi32>
          %sub3A_90 = arith.subi %masked_cumsum3A, %convert_element_type3A_87 : vector<16xi32>
          %add3A_91 = vector.broadcast %scan3A_77 : i32 to vector<16xi32>
          %add3A_92 = arith.addi %sub3A_90, %add3A_91 : vector<16xi32>
          %shift_right_logical3A = arith.constant 5 : i32
          %shift_right_logical3A_93 = vector.broadcast %shift_right_logical3A : i32 to vector<16xi32>
          %shift_right_logical3A_94 = arith.shrui %add3A_92, %shift_right_logical3A_93 : vector<16xi32>
          %and3A_95 = arith.constant 31 : i32
          %and3A_96 = vector.broadcast %and3A_95 : i32 to vector<16xi32>
          %and3A_97 = arith.andi %add3A_92, %and3A_96 : vector<16xi32>
          tpu.vector_store_idx %arg10[%shift_right_logical3A_94, %and3A_97], %get3A_80 masked %and3A : memref<64x32xi32, #tpu.memory_space<vmem>>[vector<16xi32>, vector<16xi32>], vector<16xi32>, vector<16xi1>
          %sub3A_98 = vector.broadcast %mul3A_10 : i32 to vector<16xi32>
          %sub3A_99 = arith.subi %get3A_84, %sub3A_98 : vector<16xi32>
          tpu.vector_store_idx %arg11[%shift_right_logical3A_94, %and3A_97], %sub3A_99 masked %and3A : memref<64x32xi32, #tpu.memory_space<vmem>>[vector<16xi32>, vector<16xi32>], vector<16xi32>, vector<16xi1>
          %reduce_sum3A = arith.constant true
          %reduce_sum3A_100 = vector.broadcast %reduce_sum3A : i1 to vector<16xi1>
          %reduce_sum3A_101 = tpu.scan <sum>, %convert_element_type3A_87 masked %reduce_sum3A_100 : vector<16xi32>, vector<16xi1> -> vector<16xi32>
          %reduce_sum3A_102 = vector.extract %reduce_sum3A_101[15] : i32 from vector<16xi32>
          %add3A_103 = arith.addi %scan3A_77, %reduce_sum3A_102 : i32
          scf.yield %add3A_103 : i32
        }
        %scan3A_41 = arith.constant 128 : i32
        %add3A_42 = arith.constant 32 : i32
        %add3A_43 = arith.addi %scan3A_40, %add3A_42 : i32
        %sub3A = arith.constant 1 : i32
        %sub3A_44 = arith.subi %add3A_43, %sub3A : i32
        %shift_right_arithmetic3A = arith.constant 5 : i32
        %shift_right_arithmetic3A_45 = arith.shrsi %sub3A_44, %shift_right_arithmetic3A : i32
        %iota3A = tpu.iota {dimensions = array<i32: 0>} : vector<16xi32>
        %broadcast_in_dim3A = arith.constant 0 : i32
        %broadcast_in_dim3A_46 = vector.broadcast %broadcast_in_dim3A : i32 to vector<16xi32>
        %broadcast_in_dim3A_47 = arith.constant 3840 : i32
        %broadcast_in_dim3A_48 = vector.broadcast %broadcast_in_dim3A_47 : i32 to vector<16xi32>
        %add3A_49 = vector.broadcast %arg1 : i32 to vector<16xi32>
        %add3A_50 = arith.addi %broadcast_in_dim3A_48, %add3A_49 : vector<16xi32>
        %scan3A_51 = arith.constant 0 : i32
        %scan3A_52 = arith.constant 0 : i32
        %scan3A_53 = arith.constant 2 : i32
        %scan3A_54 = arith.addi %scan3A_52, %scan3A_53 : i32
        %scan3A_55 = arith.constant 1 : i32
        %scan3A_56 = scf.for %scan3A_76 = %scan3A_52 to %scan3A_54 step %scan3A_55 iter_args(%scan3A_77 = %scan3A_51) -> (i32)  : i32 {
          %mul3A_78 = arith.constant 16 : i32
          %mul3A_79 = arith.muli %scan3A_76, %mul3A_78 : i32
          %add3A_80 = arith.addi %scan3A_40, %mul3A_79 : i32
          %add3A_81 = vector.broadcast %add3A_80 : i32 to vector<16xi32>
          %add3A_82 = arith.addi %add3A_81, %iota3A : vector<16xi32>
          %shift_left3A = arith.constant 5 : i32
          %shift_left3A_83 = arith.shli %shift_right_arithmetic3A_45, %shift_left3A : i32
          %lt3A = vector.broadcast %shift_left3A_83 : i32 to vector<16xi32>
          %lt3A_84 = arith.cmpi slt, %add3A_82, %lt3A : vector<16xi32>
          %shift_right_logical3A = arith.constant 5 : i32
          %shift_right_logical3A_85 = vector.broadcast %shift_right_logical3A : i32 to vector<16xi32>
          %shift_right_logical3A_86 = arith.shrui %add3A_82, %shift_right_logical3A_85 : vector<16xi32>
          %and3A = arith.constant 31 : i32
          %and3A_87 = vector.broadcast %and3A : i32 to vector<16xi32>
          %and3A_88 = arith.andi %add3A_82, %and3A_87 : vector<16xi32>
          tpu.vector_store_idx %arg10[%shift_right_logical3A_86, %and3A_88], %broadcast_in_dim3A_46 masked %lt3A_84 : memref<64x32xi32, #tpu.memory_space<vmem>>[vector<16xi32>, vector<16xi32>], vector<16xi32>, vector<16xi1>
          tpu.vector_store_idx %arg11[%shift_right_logical3A_86, %and3A_88], %add3A_50 masked %lt3A_84 : memref<64x32xi32, #tpu.memory_space<vmem>>[vector<16xi32>, vector<16xi32>], vector<16xi32>, vector<16xi1>
          %scan3A_89 = arith.constant 0 : i32
          scf.yield %scan3A_89 : i32
        }
        %scan3A_57 = arith.constant 2 : i32
        %gt3A = arith.constant 0 : i32
        %gt3A_58 = arith.cmpi sgt, %shift_right_arithmetic3A_45, %gt3A : i32
        %convert_element_type3A = arith.extui %gt3A_58 : i1 to i32
        %cond3A = arith.constant 0 : i32
        %cond3A_59 = arith.cmpi ne, %convert_element_type3A, %cond3A : i32
        scf.if %cond3A_59 {
          %dma_start3A = arith.constant 0 : i32
          %dma_start3A_76 = arith.constant 0 : i32
          %dma_start3A_77 = tpu.memref_slice %arg10[%dma_start3A, %dma_start3A_76] : memref<64x32xi32, #tpu.memory_space<vmem>> -> memref<1x32xi32, #tpu.memory_space<vmem>>
          %dma_start3A_78 = tpu.memref_squeeze %dma_start3A_77 : memref<1x32xi32, #tpu.memory_space<vmem>> -> memref<32xi32, #tpu.memory_space<vmem>>
          %dma_start3A_79 = arith.constant 0 : i32
          %dma_start3A_80 = arith.constant 0 : i32
          %dma_start3A_81 = tpu.memref_slice %arg2[%dma_start3A_79, %dma_start3A_80] : memref<50000x384xf32, #tpu.memory_space<hbm>> -> memref<50000x384xf32, #tpu.memory_space<hbm>>
          tpu.enqueue_indirect_dma source(%dma_start3A_81 : memref<50000x384xf32, #tpu.memory_space<hbm>>) target(%arg12 : memref<32x384xf32, #tpu.memory_space<vmem>>) offsets(%dma_start3A_78 : memref<32xi32, #tpu.memory_space<vmem>>) semaphore(%arg14 : memref<!tpu.dma_semaphore, #tpu.memory_space<semaphore_mem>>)
        } else {
        }
        %add3A_60 = arith.constant 1 : i32
        %add3A_61 = arith.addi %shift_right_arithmetic3A_45, %add3A_60 : i32
        %shift_right_arithmetic3A_62 = arith.constant 1 : i32
        %shift_right_arithmetic3A_63 = arith.shrsi %add3A_61, %shift_right_arithmetic3A_62 : i32
        %while3A = arith.constant 0 : i32
        %while3A_64 = arith.constant 0 : i32
        %while3A_65 = arith.subi %shift_right_arithmetic3A_63, %while3A : i32
        %while3A_66 = arith.addi %while3A, %while3A_65 : i32
        %while3A_67 = arith.constant 1 : i32
        %while3A_68 = arith.divsi %while3A_65, %while3A_67 : i32
        %while3A_69 = arith.muli %while3A_68, %while3A_67 : i32
        %while3A_70 = arith.addi %while3A, %while3A_69 : i32
        %while3A_71 = arith.constant 1 : i32
        %while3A_72 = scf.for %while3A_76 = %while3A to %while3A_70 step %while3A_71 iter_args(%while3A_77 = %while3A_64) -> (i32)  : i32 {
          %mul3A_78 = arith.constant 2 : i32
          %mul3A_79 = arith.muli %mul3A_78, %while3A_76 : i32
          %add3A_80 = arith.constant 1 : i32
          %add3A_81 = arith.addi %mul3A_79, %add3A_80 : i32
          %lt3A = arith.cmpi slt, %add3A_81, %shift_right_arithmetic3A_45 : i32
          %convert_element_type3A_82 = arith.extui %lt3A : i1 to i32
          %cond3A_83 = arith.constant 0 : i32
          %cond3A_84 = arith.cmpi ne, %convert_element_type3A_82, %cond3A_83 : i32
          scf.if %cond3A_84 {
            %dma_start3A = arith.constant 0 : i32
            %dma_start3A_95 = tpu.memref_slice %arg10[%add3A_81, %dma_start3A] : memref<64x32xi32, #tpu.memory_space<vmem>> -> memref<1x32xi32, #tpu.memory_space<vmem>>
            %dma_start3A_96 = tpu.memref_squeeze %dma_start3A_95 : memref<1x32xi32, #tpu.memory_space<vmem>> -> memref<32xi32, #tpu.memory_space<vmem>>
            %dma_start3A_97 = arith.constant 0 : i32
            %dma_start3A_98 = arith.constant 0 : i32
            %dma_start3A_99 = tpu.memref_slice %arg2[%dma_start3A_97, %dma_start3A_98] : memref<50000x384xf32, #tpu.memory_space<hbm>> -> memref<50000x384xf32, #tpu.memory_space<hbm>>
            tpu.enqueue_indirect_dma source(%dma_start3A_99 : memref<50000x384xf32, #tpu.memory_space<hbm>>) target(%arg13 : memref<32x384xf32, #tpu.memory_space<vmem>>) offsets(%dma_start3A_96 : memref<32xi32, #tpu.memory_space<vmem>>) semaphore(%arg15 : memref<!tpu.dma_semaphore, #tpu.memory_space<semaphore_mem>>)
          } else {
          }
          %dma_wait3A = arith.constant 0 : i32
          %dma_wait3A_85 = tpu.memref_slice %arg10[%mul3A_79, %dma_wait3A] : memref<64x32xi32, #tpu.memory_space<vmem>> -> memref<1x32xi32, #tpu.memory_space<vmem>>
          %dma_wait3A_86 = tpu.memref_squeeze %dma_wait3A_85 : memref<1x32xi32, #tpu.memory_space<vmem>> -> memref<32xi32, #tpu.memory_space<vmem>>
          %dma_wait3A_87 = arith.constant 0 : i32
          %dma_wait3A_88 = arith.constant 0 : i32
          %dma_wait3A_89 = tpu.memref_slice %arg2[%dma_wait3A_87, %dma_wait3A_88] : memref<50000x384xf32, #tpu.memory_space<hbm>> -> memref<50000x384xf32, #tpu.memory_space<hbm>>
          tpu.wait_indirect_dma semaphore(%arg14 : memref<!tpu.dma_semaphore, #tpu.memory_space<semaphore_mem>>) src(%dma_wait3A_89 : memref<50000x384xf32, #tpu.memory_space<hbm>>) dst(%arg12 : memref<32x384xf32, #tpu.memory_space<vmem>>)
          "tpu.region"() ({
            %run_scoped3A = tpu.sem_alloc : memref<!tpu.dma_semaphore, #tpu.memory_space<semaphore_mem>>
            %dma_start3A = arith.constant 0 : i32
            %dma_start3A_95 = tpu.memref_slice %arg11[%mul3A_79, %dma_start3A] : memref<64x32xi32, #tpu.memory_space<vmem>> -> memref<1x32xi32, #tpu.memory_space<vmem>>
            %dma_start3A_96 = tpu.memref_squeeze %dma_start3A_95 : memref<1x32xi32, #tpu.memory_space<vmem>> -> memref<32xi32, #tpu.memory_space<vmem>>
            %dma_start3A_97 = arith.constant 0 : i32
            %dma_start3A_98 = arith.constant 0 : i32
            %dma_start3A_99 = tpu.memref_slice %arg7[%dma_start3A_97, %dma_start3A_98] : memref<3856x384xf32, #tpu.memory_space<vmem_shared>> -> memref<3856x384xf32, #tpu.memory_space<vmem_shared>>
            tpu.enqueue_indirect_dma source(%arg12 : memref<32x384xf32, #tpu.memory_space<vmem>>) target(%dma_start3A_99 : memref<3856x384xf32, #tpu.memory_space<vmem_shared>>) offsets(%dma_start3A_96 : memref<32xi32, #tpu.memory_space<vmem>>) semaphore(%run_scoped3A : memref<!tpu.dma_semaphore, #tpu.memory_space<semaphore_mem>>) {add = true}
            %dma_wait3A_100 = arith.constant 0 : i32
            %dma_wait3A_101 = tpu.memref_slice %arg11[%mul3A_79, %dma_wait3A_100] : memref<64x32xi32, #tpu.memory_space<vmem>> -> memref<1x32xi32, #tpu.memory_space<vmem>>
            %dma_wait3A_102 = tpu.memref_squeeze %dma_wait3A_101 : memref<1x32xi32, #tpu.memory_space<vmem>> -> memref<32xi32, #tpu.memory_space<vmem>>
            %dma_wait3A_103 = arith.constant 0 : i32
            %dma_wait3A_104 = arith.constant 0 : i32
            %dma_wait3A_105 = tpu.memref_slice %arg7[%dma_wait3A_103, %dma_wait3A_104] : memref<3856x384xf32, #tpu.memory_space<vmem_shared>> -> memref<3856x384xf32, #tpu.memory_space<vmem_shared>>
            tpu.wait_indirect_dma semaphore(%run_scoped3A : memref<!tpu.dma_semaphore, #tpu.memory_space<semaphore_mem>>) src(%arg12 : memref<32x384xf32, #tpu.memory_space<vmem>>) dst(%dma_wait3A_105 : memref<3856x384xf32, #tpu.memory_space<vmem_shared>>)
            tpu.yield
          }) : () -> ()
          %lt3A_90 = arith.cmpi slt, %add3A_81, %shift_right_arithmetic3A_45 : i32
          %convert_element_type3A_91 = arith.extui %lt3A_90 : i1 to i32
          %cond3A_92 = arith.constant 0 : i32
          %cond3A_93 = arith.cmpi ne, %convert_element_type3A_91, %cond3A_92 : i32
          scf.if %cond3A_93 {
            %add3A_95 = arith.constant 1 : i32
            %add3A_96 = arith.addi %add3A_81, %add3A_95 : i32
            %lt3A_97 = arith.cmpi slt, %add3A_96, %shift_right_arithmetic3A_45 : i32
            %convert_element_type3A_98 = arith.extui %lt3A_97 : i1 to i32
            %cond3A_99 = arith.constant 0 : i32
            %cond3A_100 = arith.cmpi ne, %convert_element_type3A_98, %cond3A_99 : i32
            scf.if %cond3A_100 {
              %add3A_107 = arith.constant 1 : i32
              %add3A_108 = arith.addi %add3A_81, %add3A_107 : i32
              %dma_start3A = arith.constant 0 : i32
              %dma_start3A_109 = tpu.memref_slice %arg10[%add3A_108, %dma_start3A] : memref<64x32xi32, #tpu.memory_space<vmem>> -> memref<1x32xi32, #tpu.memory_space<vmem>>
              %dma_start3A_110 = tpu.memref_squeeze %dma_start3A_109 : memref<1x32xi32, #tpu.memory_space<vmem>> -> memref<32xi32, #tpu.memory_space<vmem>>
              %dma_start3A_111 = arith.constant 0 : i32
              %dma_start3A_112 = arith.constant 0 : i32
              %dma_start3A_113 = tpu.memref_slice %arg2[%dma_start3A_111, %dma_start3A_112] : memref<50000x384xf32, #tpu.memory_space<hbm>> -> memref<50000x384xf32, #tpu.memory_space<hbm>>
              tpu.enqueue_indirect_dma source(%dma_start3A_113 : memref<50000x384xf32, #tpu.memory_space<hbm>>) target(%arg12 : memref<32x384xf32, #tpu.memory_space<vmem>>) offsets(%dma_start3A_110 : memref<32xi32, #tpu.memory_space<vmem>>) semaphore(%arg14 : memref<!tpu.dma_semaphore, #tpu.memory_space<semaphore_mem>>)
            } else {
            }
            %dma_wait3A_101 = arith.constant 0 : i32
            %dma_wait3A_102 = tpu.memref_slice %arg10[%add3A_81, %dma_wait3A_101] : memref<64x32xi32, #tpu.memory_space<vmem>> -> memref<1x32xi32, #tpu.memory_space<vmem>>
            %dma_wait3A_103 = tpu.memref_squeeze %dma_wait3A_102 : memref<1x32xi32, #tpu.memory_space<vmem>> -> memref<32xi32, #tpu.memory_space<vmem>>
            %dma_wait3A_104 = arith.constant 0 : i32
            %dma_wait3A_105 = arith.constant 0 : i32
            %dma_wait3A_106 = tpu.memref_slice %arg2[%dma_wait3A_104, %dma_wait3A_105] : memref<50000x384xf32, #tpu.memory_space<hbm>> -> memref<50000x384xf32, #tpu.memory_space<hbm>>
            tpu.wait_indirect_dma semaphore(%arg15 : memref<!tpu.dma_semaphore, #tpu.memory_space<semaphore_mem>>) src(%dma_wait3A_106 : memref<50000x384xf32, #tpu.memory_space<hbm>>) dst(%arg13 : memref<32x384xf32, #tpu.memory_space<vmem>>)
            "tpu.region"() ({
              %run_scoped3A = tpu.sem_alloc : memref<!tpu.dma_semaphore, #tpu.memory_space<semaphore_mem>>
              %dma_start3A = arith.constant 0 : i32
              %dma_start3A_107 = tpu.memref_slice %arg11[%add3A_81, %dma_start3A] : memref<64x32xi32, #tpu.memory_space<vmem>> -> memref<1x32xi32, #tpu.memory_space<vmem>>
              %dma_start3A_108 = tpu.memref_squeeze %dma_start3A_107 : memref<1x32xi32, #tpu.memory_space<vmem>> -> memref<32xi32, #tpu.memory_space<vmem>>
              %dma_start3A_109 = arith.constant 0 : i32
              %dma_start3A_110 = arith.constant 0 : i32
              %dma_start3A_111 = tpu.memref_slice %arg7[%dma_start3A_109, %dma_start3A_110] : memref<3856x384xf32, #tpu.memory_space<vmem_shared>> -> memref<3856x384xf32, #tpu.memory_space<vmem_shared>>
              tpu.enqueue_indirect_dma source(%arg13 : memref<32x384xf32, #tpu.memory_space<vmem>>) target(%dma_start3A_111 : memref<3856x384xf32, #tpu.memory_space<vmem_shared>>) offsets(%dma_start3A_108 : memref<32xi32, #tpu.memory_space<vmem>>) semaphore(%run_scoped3A : memref<!tpu.dma_semaphore, #tpu.memory_space<semaphore_mem>>) {add = true}
              %dma_wait3A_112 = arith.constant 0 : i32
              %dma_wait3A_113 = tpu.memref_slice %arg11[%add3A_81, %dma_wait3A_112] : memref<64x32xi32, #tpu.memory_space<vmem>> -> memref<1x32xi32, #tpu.memory_space<vmem>>
              %dma_wait3A_114 = tpu.memref_squeeze %dma_wait3A_113 : memref<1x32xi32, #tpu.memory_space<vmem>> -> memref<32xi32, #tpu.memory_space<vmem>>
              %dma_wait3A_115 = arith.constant 0 : i32
              %dma_wait3A_116 = arith.constant 0 : i32
              %dma_wait3A_117 = tpu.memref_slice %arg7[%dma_wait3A_115, %dma_wait3A_116] : memref<3856x384xf32, #tpu.memory_space<vmem_shared>> -> memref<3856x384xf32, #tpu.memory_space<vmem_shared>>
              tpu.wait_indirect_dma semaphore(%run_scoped3A : memref<!tpu.dma_semaphore, #tpu.memory_space<semaphore_mem>>) src(%arg13 : memref<32x384xf32, #tpu.memory_space<vmem>>) dst(%dma_wait3A_117 : memref<3856x384xf32, #tpu.memory_space<vmem_shared>>)
              tpu.yield
            }) : () -> ()
          } else {
          }
          %while3A_94 = arith.constant 0 : i32
          scf.yield %while3A_94 : i32
        }
        %while3A_73 = arith.constant 1 : i32
        %while3A_74 = scf.for %while3A_76 = %while3A_70 to %while3A_66 step %while3A_73 iter_args(%while3A_77 = %while3A_72) -> (i32)  : i32 {
          %mul3A_78 = arith.constant 2 : i32
          %mul3A_79 = arith.muli %mul3A_78, %while3A_76 : i32
          %add3A_80 = arith.constant 1 : i32
          %add3A_81 = arith.addi %mul3A_79, %add3A_80 : i32
          %lt3A = arith.cmpi slt, %add3A_81, %shift_right_arithmetic3A_45 : i32
          %convert_element_type3A_82 = arith.extui %lt3A : i1 to i32
          %cond3A_83 = arith.constant 0 : i32
          %cond3A_84 = arith.cmpi ne, %convert_element_type3A_82, %cond3A_83 : i32
          scf.if %cond3A_84 {
            %dma_start3A = arith.constant 0 : i32
            %dma_start3A_95 = tpu.memref_slice %arg10[%add3A_81, %dma_start3A] : memref<64x32xi32, #tpu.memory_space<vmem>> -> memref<1x32xi32, #tpu.memory_space<vmem>>
            %dma_start3A_96 = tpu.memref_squeeze %dma_start3A_95 : memref<1x32xi32, #tpu.memory_space<vmem>> -> memref<32xi32, #tpu.memory_space<vmem>>
            %dma_start3A_97 = arith.constant 0 : i32
            %dma_start3A_98 = arith.constant 0 : i32
            %dma_start3A_99 = tpu.memref_slice %arg2[%dma_start3A_97, %dma_start3A_98] : memref<50000x384xf32, #tpu.memory_space<hbm>> -> memref<50000x384xf32, #tpu.memory_space<hbm>>
            tpu.enqueue_indirect_dma source(%dma_start3A_99 : memref<50000x384xf32, #tpu.memory_space<hbm>>) target(%arg13 : memref<32x384xf32, #tpu.memory_space<vmem>>) offsets(%dma_start3A_96 : memref<32xi32, #tpu.memory_space<vmem>>) semaphore(%arg15 : memref<!tpu.dma_semaphore, #tpu.memory_space<semaphore_mem>>)
          } else {
          }
          %dma_wait3A = arith.constant 0 : i32
          %dma_wait3A_85 = tpu.memref_slice %arg10[%mul3A_79, %dma_wait3A] : memref<64x32xi32, #tpu.memory_space<vmem>> -> memref<1x32xi32, #tpu.memory_space<vmem>>
          %dma_wait3A_86 = tpu.memref_squeeze %dma_wait3A_85 : memref<1x32xi32, #tpu.memory_space<vmem>> -> memref<32xi32, #tpu.memory_space<vmem>>
          %dma_wait3A_87 = arith.constant 0 : i32
          %dma_wait3A_88 = arith.constant 0 : i32
          %dma_wait3A_89 = tpu.memref_slice %arg2[%dma_wait3A_87, %dma_wait3A_88] : memref<50000x384xf32, #tpu.memory_space<hbm>> -> memref<50000x384xf32, #tpu.memory_space<hbm>>
          tpu.wait_indirect_dma semaphore(%arg14 : memref<!tpu.dma_semaphore, #tpu.memory_space<semaphore_mem>>) src(%dma_wait3A_89 : memref<50000x384xf32, #tpu.memory_space<hbm>>) dst(%arg12 : memref<32x384xf32, #tpu.memory_space<vmem>>)
          "tpu.region"() ({
            %run_scoped3A = tpu.sem_alloc : memref<!tpu.dma_semaphore, #tpu.memory_space<semaphore_mem>>
            %dma_start3A = arith.constant 0 : i32
            %dma_start3A_95 = tpu.memref_slice %arg11[%mul3A_79, %dma_start3A] : memref<64x32xi32, #tpu.memory_space<vmem>> -> memref<1x32xi32, #tpu.memory_space<vmem>>
            %dma_start3A_96 = tpu.memref_squeeze %dma_start3A_95 : memref<1x32xi32, #tpu.memory_space<vmem>> -> memref<32xi32, #tpu.memory_space<vmem>>
            %dma_start3A_97 = arith.constant 0 : i32
            %dma_start3A_98 = arith.constant 0 : i32
            %dma_start3A_99 = tpu.memref_slice %arg7[%dma_start3A_97, %dma_start3A_98] : memref<3856x384xf32, #tpu.memory_space<vmem_shared>> -> memref<3856x384xf32, #tpu.memory_space<vmem_shared>>
            tpu.enqueue_indirect_dma source(%arg12 : memref<32x384xf32, #tpu.memory_space<vmem>>) target(%dma_start3A_99 : memref<3856x384xf32, #tpu.memory_space<vmem_shared>>) offsets(%dma_start3A_96 : memref<32xi32, #tpu.memory_space<vmem>>) semaphore(%run_scoped3A : memref<!tpu.dma_semaphore, #tpu.memory_space<semaphore_mem>>) {add = true}
            %dma_wait3A_100 = arith.constant 0 : i32
            %dma_wait3A_101 = tpu.memref_slice %arg11[%mul3A_79, %dma_wait3A_100] : memref<64x32xi32, #tpu.memory_space<vmem>> -> memref<1x32xi32, #tpu.memory_space<vmem>>
            %dma_wait3A_102 = tpu.memref_squeeze %dma_wait3A_101 : memref<1x32xi32, #tpu.memory_space<vmem>> -> memref<32xi32, #tpu.memory_space<vmem>>
            %dma_wait3A_103 = arith.constant 0 : i32
            %dma_wait3A_104 = arith.constant 0 : i32
            %dma_wait3A_105 = tpu.memref_slice %arg7[%dma_wait3A_103, %dma_wait3A_104] : memref<3856x384xf32, #tpu.memory_space<vmem_shared>> -> memref<3856x384xf32, #tpu.memory_space<vmem_shared>>
            tpu.wait_indirect_dma semaphore(%run_scoped3A : memref<!tpu.dma_semaphore, #tpu.memory_space<semaphore_mem>>) src(%arg12 : memref<32x384xf32, #tpu.memory_space<vmem>>) dst(%dma_wait3A_105 : memref<3856x384xf32, #tpu.memory_space<vmem_shared>>)
            tpu.yield
          }) : () -> ()
          %lt3A_90 = arith.cmpi slt, %add3A_81, %shift_right_arithmetic3A_45 : i32
          %convert_element_type3A_91 = arith.extui %lt3A_90 : i1 to i32
          %cond3A_92 = arith.constant 0 : i32
          %cond3A_93 = arith.cmpi ne, %convert_element_type3A_91, %cond3A_92 : i32
          scf.if %cond3A_93 {
            %add3A_95 = arith.constant 1 : i32
            %add3A_96 = arith.addi %add3A_81, %add3A_95 : i32
            %lt3A_97 = arith.cmpi slt, %add3A_96, %shift_right_arithmetic3A_45 : i32
            %convert_element_type3A_98 = arith.extui %lt3A_97 : i1 to i32
            %cond3A_99 = arith.constant 0 : i32
            %cond3A_100 = arith.cmpi ne, %convert_element_type3A_98, %cond3A_99 : i32
            scf.if %cond3A_100 {
              %add3A_107 = arith.constant 1 : i32
              %add3A_108 = arith.addi %add3A_81, %add3A_107 : i32
              %dma_start3A = arith.constant 0 : i32
              %dma_start3A_109 = tpu.memref_slice %arg10[%add3A_108, %dma_start3A] : memref<64x32xi32, #tpu.memory_space<vmem>> -> memref<1x32xi32, #tpu.memory_space<vmem>>
              %dma_start3A_110 = tpu.memref_squeeze %dma_start3A_109 : memref<1x32xi32, #tpu.memory_space<vmem>> -> memref<32xi32, #tpu.memory_space<vmem>>
              %dma_start3A_111 = arith.constant 0 : i32
              %dma_start3A_112 = arith.constant 0 : i32
              %dma_start3A_113 = tpu.memref_slice %arg2[%dma_start3A_111, %dma_start3A_112] : memref<50000x384xf32, #tpu.memory_space<hbm>> -> memref<50000x384xf32, #tpu.memory_space<hbm>>
              tpu.enqueue_indirect_dma source(%dma_start3A_113 : memref<50000x384xf32, #tpu.memory_space<hbm>>) target(%arg12 : memref<32x384xf32, #tpu.memory_space<vmem>>) offsets(%dma_start3A_110 : memref<32xi32, #tpu.memory_space<vmem>>) semaphore(%arg14 : memref<!tpu.dma_semaphore, #tpu.memory_space<semaphore_mem>>)
            } else {
            }
            %dma_wait3A_101 = arith.constant 0 : i32
            %dma_wait3A_102 = tpu.memref_slice %arg10[%add3A_81, %dma_wait3A_101] : memref<64x32xi32, #tpu.memory_space<vmem>> -> memref<1x32xi32, #tpu.memory_space<vmem>>
            %dma_wait3A_103 = tpu.memref_squeeze %dma_wait3A_102 : memref<1x32xi32, #tpu.memory_space<vmem>> -> memref<32xi32, #tpu.memory_space<vmem>>
            %dma_wait3A_104 = arith.constant 0 : i32
            %dma_wait3A_105 = arith.constant 0 : i32
            %dma_wait3A_106 = tpu.memref_slice %arg2[%dma_wait3A_104, %dma_wait3A_105] : memref<50000x384xf32, #tpu.memory_space<hbm>> -> memref<50000x384xf32, #tpu.memory_space<hbm>>
            tpu.wait_indirect_dma semaphore(%arg15 : memref<!tpu.dma_semaphore, #tpu.memory_space<semaphore_mem>>) src(%dma_wait3A_106 : memref<50000x384xf32, #tpu.memory_space<hbm>>) dst(%arg13 : memref<32x384xf32, #tpu.memory_space<vmem>>)
            "tpu.region"() ({
              %run_scoped3A = tpu.sem_alloc : memref<!tpu.dma_semaphore, #tpu.memory_space<semaphore_mem>>
              %dma_start3A = arith.constant 0 : i32
              %dma_start3A_107 = tpu.memref_slice %arg11[%add3A_81, %dma_start3A] : memref<64x32xi32, #tpu.memory_space<vmem>> -> memref<1x32xi32, #tpu.memory_space<vmem>>
              %dma_start3A_108 = tpu.memref_squeeze %dma_start3A_107 : memref<1x32xi32, #tpu.memory_space<vmem>> -> memref<32xi32, #tpu.memory_space<vmem>>
              %dma_start3A_109 = arith.constant 0 : i32
              %dma_start3A_110 = arith.constant 0 : i32
              %dma_start3A_111 = tpu.memref_slice %arg7[%dma_start3A_109, %dma_start3A_110] : memref<3856x384xf32, #tpu.memory_space<vmem_shared>> -> memref<3856x384xf32, #tpu.memory_space<vmem_shared>>
              tpu.enqueue_indirect_dma source(%arg13 : memref<32x384xf32, #tpu.memory_space<vmem>>) target(%dma_start3A_111 : memref<3856x384xf32, #tpu.memory_space<vmem_shared>>) offsets(%dma_start3A_108 : memref<32xi32, #tpu.memory_space<vmem>>) semaphore(%run_scoped3A : memref<!tpu.dma_semaphore, #tpu.memory_space<semaphore_mem>>) {add = true}
              %dma_wait3A_112 = arith.constant 0 : i32
              %dma_wait3A_113 = tpu.memref_slice %arg11[%add3A_81, %dma_wait3A_112] : memref<64x32xi32, #tpu.memory_space<vmem>> -> memref<1x32xi32, #tpu.memory_space<vmem>>
              %dma_wait3A_114 = tpu.memref_squeeze %dma_wait3A_113 : memref<1x32xi32, #tpu.memory_space<vmem>> -> memref<32xi32, #tpu.memory_space<vmem>>
              %dma_wait3A_115 = arith.constant 0 : i32
              %dma_wait3A_116 = arith.constant 0 : i32
              %dma_wait3A_117 = tpu.memref_slice %arg7[%dma_wait3A_115, %dma_wait3A_116] : memref<3856x384xf32, #tpu.memory_space<vmem_shared>> -> memref<3856x384xf32, #tpu.memory_space<vmem_shared>>
              tpu.wait_indirect_dma semaphore(%run_scoped3A : memref<!tpu.dma_semaphore, #tpu.memory_space<semaphore_mem>>) src(%arg13 : memref<32x384xf32, #tpu.memory_space<vmem>>) dst(%dma_wait3A_117 : memref<3856x384xf32, #tpu.memory_space<vmem_shared>>)
              tpu.yield
            }) : () -> ()
          } else {
          }
          %while3A_94 = arith.constant 0 : i32
          scf.yield %while3A_94 : i32
        }
        %scan3A_75 = arith.constant 0 : i32
        scf.yield %scan3A_75 : i32
      }
      %scan3A_21 = arith.constant 25 : i32
      %barrier3A_22 = arith.constant 0 : index
      tpu.barrier barrier_id(%barrier3A_22)
      %mul3A_23 = arith.constant 240 : i32
      %mul3A_24 = arith.muli %arg1, %mul3A_23 : i32
      %add3A_25 = arith.addi %mul3A_10, %mul3A_24 : i32
      "tpu.region"() ({
        %run_scoped3A = tpu.sem_alloc : memref<!tpu.dma_semaphore, #tpu.memory_space<semaphore_mem>>
        %dma_start3A = arith.constant 0 : i32
        %dma_start3A_28 = tpu.memref_slice %arg6[%add3A_25, %dma_start3A] : memref<53760x384xf32, #tpu.memory_space<hbm>> -> memref<240x384xf32, #tpu.memory_space<hbm>>
        %dma_start3A_29 = arith.constant 0 : i32
        %dma_start3A_30 = tpu.memref_slice %arg7[%mul3A_24, %dma_start3A_29] : memref<3856x384xf32, #tpu.memory_space<vmem_shared>> -> memref<240x384xf32, #tpu.memory_space<vmem_shared>>
        tpu.enqueue_dma source(%dma_start3A_30 : memref<240x384xf32, #tpu.memory_space<vmem_shared>>) target(%dma_start3A_28 : memref<240x384xf32, #tpu.memory_space<hbm>>) target_semaphore(%run_scoped3A : memref<!tpu.dma_semaphore, #tpu.memory_space<semaphore_mem>>)
        %dma_wait3A = arith.constant 0 : i32
        %dma_wait3A_31 = tpu.memref_slice %arg6[%add3A_25, %dma_wait3A] : memref<53760x384xf32, #tpu.memory_space<hbm>> -> memref<240x384xf32, #tpu.memory_space<hbm>>
        %dma_wait3A_32 = arith.constant 0 : i32
        %dma_wait3A_33 = tpu.memref_slice %arg7[%mul3A_24, %dma_wait3A_32] : memref<3856x384xf32, #tpu.memory_space<vmem_shared>> -> memref<240x384xf32, #tpu.memory_space<vmem_shared>>
        tpu.wait_dma2 semaphore(%run_scoped3A : memref<!tpu.dma_semaphore, #tpu.memory_space<semaphore_mem>>) src(%dma_wait3A_33 : memref<240x384xf32, #tpu.memory_space<vmem_shared>>) dst(%dma_wait3A_31 : memref<240x384xf32, #tpu.memory_space<hbm>>)
        tpu.yield
      }) : () -> ()
      %barrier3A_26 = arith.constant 0 : index
      tpu.barrier barrier_id(%barrier3A_26)
      %scan3A_27 = arith.constant 0 : i32
      scf.yield %scan3A_27 : i32
    }
    %scan3A_5 = arith.constant 7 : i32
    return
  }
}

#map = affine_map<(d0, d1) -> (0, 0)>
#map1 = affine_map<(d0, d1) -> (0)>
module attributes {stable_mosaic.version = 14 : i64} {
  func.func @_scatter_body(%arg0: i32, %arg1: i32, %arg2: memref<50000x384xf32, #tpu.memory_space<hbm>>, %arg3: memref<819200xi32, #tpu.memory_space<hbm>>, %arg4: memref<819200xi32, #tpu.memory_space<hbm>>, %arg5: memref<240x384xf32, #tpu.memory_space<hbm>>, %arg6: memref<53760x384xf32, #tpu.memory_space<hbm>>, %arg7: memref<3856x384xf32, #tpu.memory_space<vmem_shared>>, %arg8: memref<2048xi32, #tpu.memory_space<vmem>>, %arg9: memref<2048xi32, #tpu.memory_space<vmem>>, %arg10: memref<64x32xi32, #tpu.memory_space<vmem>>, %arg11: memref<64x32xi32, #tpu.memory_space<vmem>>, %arg12: memref<32x384xf32, #tpu.memory_space<vmem>>, %arg13: memref<32x384xf32, #tpu.memory_space<vmem>>, %arg14: memref<!tpu.dma_semaphore, #tpu.memory_space<semaphore_mem>>, %arg15: memref<!tpu.dma_semaphore, #tpu.memory_space<semaphore_mem>>) attributes {dimension_semantics = [#tpu.dimension_semantics<core_parallel>, #tpu.dimension_semantics<subcore_parallel>], iteration_bounds = array<i64: 2, 16>, scalar_prefetch = 0 : i64, scratch_operands = 9 : i64, tpu.core_type = #tpu.core_type<sc_vector_subcore>, window_params = [{transform_indices = #map}, {transform_indices = #map1}, {transform_indices = #map1}, {transform_indices = #map}, {transform_indices = #map}]} {
    %scan3A = arith.constant 0 : i32
    %scan3A_0 = arith.constant 0 : i32
    %scan3A_1 = arith.constant 7 : i32
    %scan3A_2 = arith.addi %scan3A_0, %scan3A_1 : i32
    %scan3A_3 = arith.constant 1 : i32
    %scan3A_4 = scf.for %scan3A_6 = %scan3A_0 to %scan3A_2 step %scan3A_3 iter_args(%scan3A_7 = %scan3A) -> (i32)  : i32 {
      %mul3A = arith.constant 7 : i32
      %mul3A_8 = arith.muli %arg0, %mul3A : i32
      %add3A = arith.addi %mul3A_8, %scan3A_6 : i32
      %mul3A_9 = arith.constant 3840 : i32
      %mul3A_10 = arith.muli %add3A, %mul3A_9 : i32
      %add3A_11 = arith.constant 3840 : i32
      %add3A_12 = arith.addi %mul3A_10, %add3A_11 : i32
      %mul3A_13 = arith.constant 240 : i32
      %mul3A_14 = arith.muli %arg1, %mul3A_13 : i32
      "tpu.region"() ({
        %run_scoped3A = tpu.sem_alloc : memref<!tpu.dma_semaphore, #tpu.memory_space<semaphore_mem>>
        %dma_start3A = arith.constant 0 : i32
        %dma_start3A_28 = tpu.memref_slice %arg7[%mul3A_14, %dma_start3A] : memref<3856x384xf32, #tpu.memory_space<vmem_shared>> -> memref<240x384xf32, #tpu.memory_space<vmem_shared>>
        tpu.enqueue_dma source(%arg5 : memref<240x384xf32, #tpu.memory_space<hbm>>) target(%dma_start3A_28 : memref<240x384xf32, #tpu.memory_space<vmem_shared>>) target_semaphore(%run_scoped3A : memref<!tpu.dma_semaphore, #tpu.memory_space<semaphore_mem>>)
        %dma_wait3A = arith.constant 0 : i32
        %dma_wait3A_29 = tpu.memref_slice %arg7[%mul3A_14, %dma_wait3A] : memref<3856x384xf32, #tpu.memory_space<vmem_shared>> -> memref<240x384xf32, #tpu.memory_space<vmem_shared>>
        tpu.wait_dma2 semaphore(%run_scoped3A : memref<!tpu.dma_semaphore, #tpu.memory_space<semaphore_mem>>) src(%arg5 : memref<240x384xf32, #tpu.memory_space<hbm>>) dst(%dma_wait3A_29 : memref<240x384xf32, #tpu.memory_space<vmem_shared>>)
        tpu.yield
      }) : () -> ()
      %barrier3A = arith.constant 0 : index
      tpu.barrier barrier_id(%barrier3A)
      %scan3A_15 = arith.constant 0 : i32
      %scan3A_16 = arith.constant 0 : i32
      %scan3A_17 = arith.constant 25 : i32
      %scan3A_18 = arith.addi %scan3A_16, %scan3A_17 : i32
      %scan3A_19 = arith.constant 1 : i32
      %scan3A_20 = scf.for %scan3A_28 = %scan3A_16 to %scan3A_18 step %scan3A_19 iter_args(%scan3A_29 = %scan3A_15) -> (i32)  : i32 {
        %mul3A_30 = arith.constant 51200 : i32
        %mul3A_31 = arith.muli %arg1, %mul3A_30 : i32
        %mul3A_32 = arith.constant 2048 : i32
        %mul3A_33 = arith.muli %scan3A_28, %mul3A_32 : i32
        %add3A_34 = arith.addi %mul3A_31, %mul3A_33 : i32
        "tpu.region"() ({
          %run_scoped3A = tpu.sem_alloc : memref<!tpu.dma_semaphore, #tpu.memory_space<semaphore_mem>>
          %dma_start3A = tpu.memref_slice %arg3[%add3A_34] : memref<819200xi32, #tpu.memory_space<hbm>> -> memref<2048xi32, #tpu.memory_space<hbm>>
          %dma_start3A_76 = tpu.memref_slice %arg3[%add3A_34] : memref<819200xi32, #tpu.memory_space<hbm>> -> memref<2048xi32, #tpu.memory_space<hbm>>
          tpu.enqueue_dma source(%dma_start3A_76 : memref<2048xi32, #tpu.memory_space<hbm>>) target(%arg8 : memref<2048xi32, #tpu.memory_space<vmem>>) target_semaphore(%run_scoped3A : memref<!tpu.dma_semaphore, #tpu.memory_space<semaphore_mem>>)
          %dma_wait3A = tpu.memref_slice %arg3[%add3A_34] : memref<819200xi32, #tpu.memory_space<hbm>> -> memref<2048xi32, #tpu.memory_space<hbm>>
          %dma_wait3A_77 = tpu.memref_slice %arg3[%add3A_34] : memref<819200xi32, #tpu.memory_space<hbm>> -> memref<2048xi32, #tpu.memory_space<hbm>>
          tpu.wait_dma2 semaphore(%run_scoped3A : memref<!tpu.dma_semaphore, #tpu.memory_space<semaphore_mem>>) src(%dma_wait3A_77 : memref<2048xi32, #tpu.memory_space<hbm>>) dst(%arg8 : memref<2048xi32, #tpu.memory_space<vmem>>)
          tpu.yield
        }) : () -> ()
        "tpu.region"() ({
          %run_scoped3A = tpu.sem_alloc : memref<!tpu.dma_semaphore, #tpu.memory_space<semaphore_mem>>
          %dma_start3A = tpu.memref_slice %arg4[%add3A_34] : memref<819200xi32, #tpu.memory_space<hbm>> -> memref<2048xi32, #tpu.memory_space<hbm>>
          %dma_start3A_76 = tpu.memref_slice %arg4[%add3A_34] : memref<819200xi32, #tpu.memory_space<hbm>> -> memref<2048xi32, #tpu.memory_space<hbm>>
          tpu.enqueue_dma source(%dma_start3A_76 : memref<2048xi32, #tpu.memory_space<hbm>>) target(%arg9 : memref<2048xi32, #tpu.memory_space<vmem>>) target_semaphore(%run_scoped3A : memref<!tpu.dma_semaphore, #tpu.memory_space<semaphore_mem>>)
          %dma_wait3A = tpu.memref_slice %arg4[%add3A_34] : memref<819200xi32, #tpu.memory_space<hbm>> -> memref<2048xi32, #tpu.memory_space<hbm>>
          %dma_wait3A_77 = tpu.memref_slice %arg4[%add3A_34] : memref<819200xi32, #tpu.memory_space<hbm>> -> memref<2048xi32, #tpu.memory_space<hbm>>
          tpu.wait_dma2 semaphore(%run_scoped3A : memref<!tpu.dma_semaphore, #tpu.memory_space<semaphore_mem>>) src(%dma_wait3A_77 : memref<2048xi32, #tpu.memory_space<hbm>>) dst(%arg9 : memref<2048xi32, #tpu.memory_space<vmem>>)
          tpu.yield
        }) : () -> ()
        %scan3A_35 = arith.constant 0 : i32
        %scan3A_36 = arith.constant 0 : i32
        %scan3A_37 = arith.constant 128 : i32
        %scan3A_38 = arith.addi %scan3A_36, %scan3A_37 : i32
        %scan3A_39 = arith.constant 1 : i32
        %scan3A_40 = scf.for %scan3A_76 = %scan3A_36 to %scan3A_38 step %scan3A_39 iter_args(%scan3A_77 = %scan3A_35) -> (i32)  : i32 {
          %mul3A_78 = arith.constant 16 : i32
          %mul3A_79 = arith.muli %scan3A_76, %mul3A_78 : i32
          %get3A = arith.index_cast %mul3A_79 : i32 to index
          %get3A_80 = tpu.vector_load %arg8[%get3A] {strides = array<i32>} : memref<2048xi32, #tpu.memory_space<vmem>>, vector<16xi32>,
          %mul3A_81 = arith.constant 16 : i32
          %mul3A_82 = arith.muli %scan3A_76, %mul3A_81 : i32
          %get3A_83 = arith.index_cast %mul3A_82 : i32 to index
          %get3A_84 = tpu.vector_load %arg9[%get3A_83] {strides = array<i32>} : memref<2048xi32, #tpu.memory_space<vmem>>, vector<16xi32>,
          %ge3A = vector.broadcast %mul3A_10 : i32 to vector<16xi32>
          %ge3A_85 = arith.cmpi sge, %get3A_84, %ge3A : vector<16xi32>
          %lt3A = vector.broadcast %add3A_12 : i32 to vector<16xi32>
          %lt3A_86 = arith.cmpi slt, %get3A_84, %lt3A : vector<16xi32>
          %and3A = arith.andi %ge3A_85, %lt3A_86 : vector<16xi1>
          %convert_element_type3A_87 = arith.extui %and3A : vector<16xi1> to vector<16xi32>
          %broadcast_in_dim3A_88 = arith.constant true
          %broadcast_in_dim3A_89 = vector.broadcast %broadcast_in_dim3A_88 : i1 to vector<16xi1>
          %masked_cumsum3A = tpu.scan <sum>, %convert_element_type3A_87 masked %broadcast_in_dim3A_89 : vector<16xi32>, vector<16xi1> -> vector<16xi32>
          %sub3A_90 = arith.subi %masked_cumsum3A, %convert_element_type3A_87 : vector<16xi32>
          %add3A_91 = vector.broadcast %scan3A_77 : i32 to vector<16xi32>
          %add3A_92 = arith.addi %sub3A_90, %add3A_91 : vector<16xi32>
          %shift_right_logical3A = arith.constant 5 : i32
          %shift_right_logical3A_93 = vector.broadcast %shift_right_logical3A : i32 to vector<16xi32>
          %shift_right_logical3A_94 = arith.shrui %add3A_92, %shift_right_logical3A_93 : vector<16xi32>
          %and3A_95 = arith.constant 31 : i32
          %and3A_96 = vector.broadcast %and3A_95 : i32 to vector<16xi32>
          %and3A_97 = arith.andi %add3A_92, %and3A_96 : vector<16xi32>
          tpu.vector_store_idx %arg10[%shift_right_logical3A_94, %and3A_97], %get3A_80 masked %and3A : memref<64x32xi32, #tpu.memory_space<vmem>>[vector<16xi32>, vector<16xi32>], vector<16xi32>, vector<16xi1>
          %sub3A_98 = vector.broadcast %mul3A_10 : i32 to vector<16xi32>
          %sub3A_99 = arith.subi %get3A_84, %sub3A_98 : vector<16xi32>
          tpu.vector_store_idx %arg11[%shift_right_logical3A_94, %and3A_97], %sub3A_99 masked %and3A : memref<64x32xi32, #tpu.memory_space<vmem>>[vector<16xi32>, vector<16xi32>], vector<16xi32>, vector<16xi1>
          %reduce_sum3A = arith.constant true
          %reduce_sum3A_100 = vector.broadcast %reduce_sum3A : i1 to vector<16xi1>
          %reduce_sum3A_101 = tpu.scan <sum>, %convert_element_type3A_87 masked %reduce_sum3A_100 : vector<16xi32>, vector<16xi1> -> vector<16xi32>
          %reduce_sum3A_102 = vector.extract %reduce_sum3A_101[15] : i32 from vector<16xi32>
          %add3A_103 = arith.addi %scan3A_77, %reduce_sum3A_102 : i32
          scf.yield %add3A_103 : i32
        }
        %scan3A_41 = arith.constant 128 : i32
        %add3A_42 = arith.constant 32 : i32
        %add3A_43 = arith.addi %scan3A_40, %add3A_42 : i32
        %sub3A = arith.constant 1 : i32
        %sub3A_44 = arith.subi %add3A_43, %sub3A : i32
        %shift_right_arithmetic3A = arith.constant 5 : i32
        %shift_right_arithmetic3A_45 = arith.shrsi %sub3A_44, %shift_right_arithmetic3A : i32
        %iota3A = tpu.iota {dimensions = array<i32: 0>} : vector<16xi32>
        %broadcast_in_dim3A = arith.constant 0 : i32
        %broadcast_in_dim3A_46 = vector.broadcast %broadcast_in_dim3A : i32 to vector<16xi32>
        %broadcast_in_dim3A_47 = arith.constant 3840 : i32
        %broadcast_in_dim3A_48 = vector.broadcast %broadcast_in_dim3A_47 : i32 to vector<16xi32>
        %add3A_49 = vector.broadcast %arg1 : i32 to vector<16xi32>
        %add3A_50 = arith.addi %broadcast_in_dim3A_48, %add3A_49 : vector<16xi32>
        %scan3A_51 = arith.constant 0 : i32
        %scan3A_52 = arith.constant 0 : i32
        %scan3A_53 = arith.constant 2 : i32
        %scan3A_54 = arith.addi %scan3A_52, %scan3A_53 : i32
        %scan3A_55 = arith.constant 1 : i32
        %scan3A_56 = scf.for %scan3A_76 = %scan3A_52 to %scan3A_54 step %scan3A_55 iter_args(%scan3A_77 = %scan3A_51) -> (i32)  : i32 {
          %mul3A_78 = arith.constant 16 : i32
          %mul3A_79 = arith.muli %scan3A_76, %mul3A_78 : i32
          %add3A_80 = arith.addi %scan3A_40, %mul3A_79 : i32
          %add3A_81 = vector.broadcast %add3A_80 : i32 to vector<16xi32>
          %add3A_82 = arith.addi %add3A_81, %iota3A : vector<16xi32>
          %shift_left3A = arith.constant 5 : i32
          %shift_left3A_83 = arith.shli %shift_right_arithmetic3A_45, %shift_left3A : i32
          %lt3A = vector.broadcast %shift_left3A_83 : i32 to vector<16xi32>
          %lt3A_84 = arith.cmpi slt, %add3A_82, %lt3A : vector<16xi32>
          %shift_right_logical3A = arith.constant 5 : i32
          %shift_right_logical3A_85 = vector.broadcast %shift_right_logical3A : i32 to vector<16xi32>
          %shift_right_logical3A_86 = arith.shrui %add3A_82, %shift_right_logical3A_85 : vector<16xi32>
          %and3A = arith.constant 31 : i32
          %and3A_87 = vector.broadcast %and3A : i32 to vector<16xi32>
          %and3A_88 = arith.andi %add3A_82, %and3A_87 : vector<16xi32>
          tpu.vector_store_idx %arg10[%shift_right_logical3A_86, %and3A_88], %broadcast_in_dim3A_46 masked %lt3A_84 : memref<64x32xi32, #tpu.memory_space<vmem>>[vector<16xi32>, vector<16xi32>], vector<16xi32>, vector<16xi1>
          tpu.vector_store_idx %arg11[%shift_right_logical3A_86, %and3A_88], %add3A_50 masked %lt3A_84 : memref<64x32xi32, #tpu.memory_space<vmem>>[vector<16xi32>, vector<16xi32>], vector<16xi32>, vector<16xi1>
          %scan3A_89 = arith.constant 0 : i32
          scf.yield %scan3A_89 : i32
        }
        %scan3A_57 = arith.constant 2 : i32
        %gt3A = arith.constant 0 : i32
        %gt3A_58 = arith.cmpi sgt, %shift_right_arithmetic3A_45, %gt3A : i32
        %convert_element_type3A = arith.extui %gt3A_58 : i1 to i32
        %cond3A = arith.constant 0 : i32
        %cond3A_59 = arith.cmpi ne, %convert_element_type3A, %cond3A : i32
        scf.if %cond3A_59 {
          %dma_start3A = arith.constant 0 : i32
          %dma_start3A_76 = arith.constant 0 : i32
          %dma_start3A_77 = tpu.memref_slice %arg10[%dma_start3A, %dma_start3A_76] : memref<64x32xi32, #tpu.memory_space<vmem>> -> memref<1x32xi32, #tpu.memory_space<vmem>>
          %dma_start3A_78 = tpu.memref_squeeze %dma_start3A_77 : memref<1x32xi32, #tpu.memory_space<vmem>> -> memref<32xi32, #tpu.memory_space<vmem>>
          %dma_start3A_79 = arith.constant 0 : i32
          %dma_start3A_80 = arith.constant 0 : i32
          %dma_start3A_81 = tpu.memref_slice %arg2[%dma_start3A_79, %dma_start3A_80] : memref<50000x384xf32, #tpu.memory_space<hbm>> -> memref<50000x384xf32, #tpu.memory_space<hbm>>
          tpu.enqueue_indirect_dma source(%dma_start3A_81 : memref<50000x384xf32, #tpu.memory_space<hbm>>) target(%arg12 : memref<32x384xf32, #tpu.memory_space<vmem>>) offsets(%dma_start3A_78 : memref<32xi32, #tpu.memory_space<vmem>>) semaphore(%arg14 : memref<!tpu.dma_semaphore, #tpu.memory_space<semaphore_mem>>)
        } else {
        }
        %add3A_60 = arith.constant 1 : i32
        %add3A_61 = arith.addi %shift_right_arithmetic3A_45, %add3A_60 : i32
        %shift_right_arithmetic3A_62 = arith.constant 1 : i32
        %shift_right_arithmetic3A_63 = arith.shrsi %add3A_61, %shift_right_arithmetic3A_62 : i32
        %while3A = arith.constant 0 : i32
        %while3A_64 = arith.constant 0 : i32
        %while3A_65 = arith.subi %shift_right_arithmetic3A_63, %while3A : i32
        %while3A_66 = arith.addi %while3A, %while3A_65 : i32
        %while3A_67 = arith.constant 1 : i32
        %while3A_68 = arith.divsi %while3A_65, %while3A_67 : i32
        %while3A_69 = arith.muli %while3A_68, %while3A_67 : i32
        %while3A_70 = arith.addi %while3A, %while3A_69 : i32
        %while3A_71 = arith.constant 1 : i32
        %while3A_72 = scf.for %while3A_76 = %while3A to %while3A_70 step %while3A_71 iter_args(%while3A_77 = %while3A_64) -> (i32)  : i32 {
          %mul3A_78 = arith.constant 2 : i32
          %mul3A_79 = arith.muli %mul3A_78, %while3A_76 : i32
          %add3A_80 = arith.constant 1 : i32
          %add3A_81 = arith.addi %mul3A_79, %add3A_80 : i32
          %lt3A = arith.cmpi slt, %add3A_81, %shift_right_arithmetic3A_45 : i32
          %convert_element_type3A_82 = arith.extui %lt3A : i1 to i32
          %cond3A_83 = arith.constant 0 : i32
          %cond3A_84 = arith.cmpi ne, %convert_element_type3A_82, %cond3A_83 : i32
          scf.if %cond3A_84 {
            %dma_start3A = arith.constant 0 : i32
            %dma_start3A_95 = tpu.memref_slice %arg10[%add3A_81, %dma_start3A] : memref<64x32xi32, #tpu.memory_space<vmem>> -> memref<1x32xi32, #tpu.memory_space<vmem>>
            %dma_start3A_96 = tpu.memref_squeeze %dma_start3A_95 : memref<1x32xi32, #tpu.memory_space<vmem>> -> memref<32xi32, #tpu.memory_space<vmem>>
            %dma_start3A_97 = arith.constant 0 : i32
            %dma_start3A_98 = arith.constant 0 : i32
            %dma_start3A_99 = tpu.memref_slice %arg2[%dma_start3A_97, %dma_start3A_98] : memref<50000x384xf32, #tpu.memory_space<hbm>> -> memref<50000x384xf32, #tpu.memory_space<hbm>>
            tpu.enqueue_indirect_dma source(%dma_start3A_99 : memref<50000x384xf32, #tpu.memory_space<hbm>>) target(%arg13 : memref<32x384xf32, #tpu.memory_space<vmem>>) offsets(%dma_start3A_96 : memref<32xi32, #tpu.memory_space<vmem>>) semaphore(%arg15 : memref<!tpu.dma_semaphore, #tpu.memory_space<semaphore_mem>>)
          } else {
          }
          %dma_wait3A = arith.constant 0 : i32
          %dma_wait3A_85 = tpu.memref_slice %arg10[%mul3A_79, %dma_wait3A] : memref<64x32xi32, #tpu.memory_space<vmem>> -> memref<1x32xi32, #tpu.memory_space<vmem>>
          %dma_wait3A_86 = tpu.memref_squeeze %dma_wait3A_85 : memref<1x32xi32, #tpu.memory_space<vmem>> -> memref<32xi32, #tpu.memory_space<vmem>>
          %dma_wait3A_87 = arith.constant 0 : i32
          %dma_wait3A_88 = arith.constant 0 : i32
          %dma_wait3A_89 = tpu.memref_slice %arg2[%dma_wait3A_87, %dma_wait3A_88] : memref<50000x384xf32, #tpu.memory_space<hbm>> -> memref<50000x384xf32, #tpu.memory_space<hbm>>
          tpu.wait_indirect_dma semaphore(%arg14 : memref<!tpu.dma_semaphore, #tpu.memory_space<semaphore_mem>>) src(%dma_wait3A_89 : memref<50000x384xf32, #tpu.memory_space<hbm>>) dst(%arg12 : memref<32x384xf32, #tpu.memory_space<vmem>>)
          "tpu.region"() ({
            %run_scoped3A = tpu.sem_alloc : memref<!tpu.dma_semaphore, #tpu.memory_space<semaphore_mem>>
            %dma_start3A = arith.constant 0 : i32
            %dma_start3A_95 = tpu.memref_slice %arg11[%mul3A_79, %dma_start3A] : memref<64x32xi32, #tpu.memory_space<vmem>> -> memref<1x32xi32, #tpu.memory_space<vmem>>
            %dma_start3A_96 = tpu.memref_squeeze %dma_start3A_95 : memref<1x32xi32, #tpu.memory_space<vmem>> -> memref<32xi32, #tpu.memory_space<vmem>>
            %dma_start3A_97 = arith.constant 0 : i32
            %dma_start3A_98 = arith.constant 0 : i32
            %dma_start3A_99 = tpu.memref_slice %arg7[%dma_start3A_97, %dma_start3A_98] : memref<3856x384xf32, #tpu.memory_space<vmem_shared>> -> memref<3856x384xf32, #tpu.memory_space<vmem_shared>>
            tpu.enqueue_indirect_dma source(%arg12 : memref<32x384xf32, #tpu.memory_space<vmem>>) target(%dma_start3A_99 : memref<3856x384xf32, #tpu.memory_space<vmem_shared>>) offsets(%dma_start3A_96 : memref<32xi32, #tpu.memory_space<vmem>>) semaphore(%run_scoped3A : memref<!tpu.dma_semaphore, #tpu.memory_space<semaphore_mem>>) {add = true}
            %dma_wait3A_100 = arith.constant 0 : i32
            %dma_wait3A_101 = tpu.memref_slice %arg11[%mul3A_79, %dma_wait3A_100] : memref<64x32xi32, #tpu.memory_space<vmem>> -> memref<1x32xi32, #tpu.memory_space<vmem>>
            %dma_wait3A_102 = tpu.memref_squeeze %dma_wait3A_101 : memref<1x32xi32, #tpu.memory_space<vmem>> -> memref<32xi32, #tpu.memory_space<vmem>>
            %dma_wait3A_103 = arith.constant 0 : i32
            %dma_wait3A_104 = arith.constant 0 : i32
            %dma_wait3A_105 = tpu.memref_slice %arg7[%dma_wait3A_103, %dma_wait3A_104] : memref<3856x384xf32, #tpu.memory_space<vmem_shared>> -> memref<3856x384xf32, #tpu.memory_space<vmem_shared>>
            tpu.wait_indirect_dma semaphore(%run_scoped3A : memref<!tpu.dma_semaphore, #tpu.memory_space<semaphore_mem>>) src(%arg12 : memref<32x384xf32, #tpu.memory_space<vmem>>) dst(%dma_wait3A_105 : memref<3856x384xf32, #tpu.memory_space<vmem_shared>>)
            tpu.yield
          }) : () -> ()
          %lt3A_90 = arith.cmpi slt, %add3A_81, %shift_right_arithmetic3A_45 : i32
          %convert_element_type3A_91 = arith.extui %lt3A_90 : i1 to i32
          %cond3A_92 = arith.constant 0 : i32
          %cond3A_93 = arith.cmpi ne, %convert_element_type3A_91, %cond3A_92 : i32
          scf.if %cond3A_93 {
            %add3A_95 = arith.constant 1 : i32
            %add3A_96 = arith.addi %add3A_81, %add3A_95 : i32
            %lt3A_97 = arith.cmpi slt, %add3A_96, %shift_right_arithmetic3A_45 : i32
            %convert_element_type3A_98 = arith.extui %lt3A_97 : i1 to i32
            %cond3A_99 = arith.constant 0 : i32
            %cond3A_100 = arith.cmpi ne, %convert_element_type3A_98, %cond3A_99 : i32
            scf.if %cond3A_100 {
              %add3A_107 = arith.constant 1 : i32
              %add3A_108 = arith.addi %add3A_81, %add3A_107 : i32
              %dma_start3A = arith.constant 0 : i32
              %dma_start3A_109 = tpu.memref_slice %arg10[%add3A_108, %dma_start3A] : memref<64x32xi32, #tpu.memory_space<vmem>> -> memref<1x32xi32, #tpu.memory_space<vmem>>
              %dma_start3A_110 = tpu.memref_squeeze %dma_start3A_109 : memref<1x32xi32, #tpu.memory_space<vmem>> -> memref<32xi32, #tpu.memory_space<vmem>>
              %dma_start3A_111 = arith.constant 0 : i32
              %dma_start3A_112 = arith.constant 0 : i32
              %dma_start3A_113 = tpu.memref_slice %arg2[%dma_start3A_111, %dma_start3A_112] : memref<50000x384xf32, #tpu.memory_space<hbm>> -> memref<50000x384xf32, #tpu.memory_space<hbm>>
              tpu.enqueue_indirect_dma source(%dma_start3A_113 : memref<50000x384xf32, #tpu.memory_space<hbm>>) target(%arg12 : memref<32x384xf32, #tpu.memory_space<vmem>>) offsets(%dma_start3A_110 : memref<32xi32, #tpu.memory_space<vmem>>) semaphore(%arg14 : memref<!tpu.dma_semaphore, #tpu.memory_space<semaphore_mem>>)
            } else {
            }
            %dma_wait3A_101 = arith.constant 0 : i32
            %dma_wait3A_102 = tpu.memref_slice %arg10[%add3A_81, %dma_wait3A_101] : memref<64x32xi32, #tpu.memory_space<vmem>> -> memref<1x32xi32, #tpu.memory_space<vmem>>
            %dma_wait3A_103 = tpu.memref_squeeze %dma_wait3A_102 : memref<1x32xi32, #tpu.memory_space<vmem>> -> memref<32xi32, #tpu.memory_space<vmem>>
            %dma_wait3A_104 = arith.constant 0 : i32
            %dma_wait3A_105 = arith.constant 0 : i32
            %dma_wait3A_106 = tpu.memref_slice %arg2[%dma_wait3A_104, %dma_wait3A_105] : memref<50000x384xf32, #tpu.memory_space<hbm>> -> memref<50000x384xf32, #tpu.memory_space<hbm>>
            tpu.wait_indirect_dma semaphore(%arg15 : memref<!tpu.dma_semaphore, #tpu.memory_space<semaphore_mem>>) src(%dma_wait3A_106 : memref<50000x384xf32, #tpu.memory_space<hbm>>) dst(%arg13 : memref<32x384xf32, #tpu.memory_space<vmem>>)
            "tpu.region"() ({
              %run_scoped3A = tpu.sem_alloc : memref<!tpu.dma_semaphore, #tpu.memory_space<semaphore_mem>>
              %dma_start3A = arith.constant 0 : i32
              %dma_start3A_107 = tpu.memref_slice %arg11[%add3A_81, %dma_start3A] : memref<64x32xi32, #tpu.memory_space<vmem>> -> memref<1x32xi32, #tpu.memory_space<vmem>>
              %dma_start3A_108 = tpu.memref_squeeze %dma_start3A_107 : memref<1x32xi32, #tpu.memory_space<vmem>> -> memref<32xi32, #tpu.memory_space<vmem>>
              %dma_start3A_109 = arith.constant 0 : i32
              %dma_start3A_110 = arith.constant 0 : i32
              %dma_start3A_111 = tpu.memref_slice %arg7[%dma_start3A_109, %dma_start3A_110] : memref<3856x384xf32, #tpu.memory_space<vmem_shared>> -> memref<3856x384xf32, #tpu.memory_space<vmem_shared>>
              tpu.enqueue_indirect_dma source(%arg13 : memref<32x384xf32, #tpu.memory_space<vmem>>) target(%dma_start3A_111 : memref<3856x384xf32, #tpu.memory_space<vmem_shared>>) offsets(%dma_start3A_108 : memref<32xi32, #tpu.memory_space<vmem>>) semaphore(%run_scoped3A : memref<!tpu.dma_semaphore, #tpu.memory_space<semaphore_mem>>) {add = true}
              %dma_wait3A_112 = arith.constant 0 : i32
              %dma_wait3A_113 = tpu.memref_slice %arg11[%add3A_81, %dma_wait3A_112] : memref<64x32xi32, #tpu.memory_space<vmem>> -> memref<1x32xi32, #tpu.memory_space<vmem>>
              %dma_wait3A_114 = tpu.memref_squeeze %dma_wait3A_113 : memref<1x32xi32, #tpu.memory_space<vmem>> -> memref<32xi32, #tpu.memory_space<vmem>>
              %dma_wait3A_115 = arith.constant 0 : i32
              %dma_wait3A_116 = arith.constant 0 : i32
              %dma_wait3A_117 = tpu.memref_slice %arg7[%dma_wait3A_115, %dma_wait3A_116] : memref<3856x384xf32, #tpu.memory_space<vmem_shared>> -> memref<3856x384xf32, #tpu.memory_space<vmem_shared>>
              tpu.wait_indirect_dma semaphore(%run_scoped3A : memref<!tpu.dma_semaphore, #tpu.memory_space<semaphore_mem>>) src(%arg13 : memref<32x384xf32, #tpu.memory_space<vmem>>) dst(%dma_wait3A_117 : memref<3856x384xf32, #tpu.memory_space<vmem_shared>>)
              tpu.yield
            }) : () -> ()
          } else {
          }
          %while3A_94 = arith.constant 0 : i32
          scf.yield %while3A_94 : i32
        }
        %while3A_73 = arith.constant 1 : i32
        %while3A_74 = scf.for %while3A_76 = %while3A_70 to %while3A_66 step %while3A_73 iter_args(%while3A_77 = %while3A_72) -> (i32)  : i32 {
          %mul3A_78 = arith.constant 2 : i32
          %mul3A_79 = arith.muli %mul3A_78, %while3A_76 : i32
          %add3A_80 = arith.constant 1 : i32
          %add3A_81 = arith.addi %mul3A_79, %add3A_80 : i32
          %lt3A = arith.cmpi slt, %add3A_81, %shift_right_arithmetic3A_45 : i32
          %convert_element_type3A_82 = arith.extui %lt3A : i1 to i32
          %cond3A_83 = arith.constant 0 : i32
          %cond3A_84 = arith.cmpi ne, %convert_element_type3A_82, %cond3A_83 : i32
          scf.if %cond3A_84 {
            %dma_start3A = arith.constant 0 : i32
            %dma_start3A_95 = tpu.memref_slice %arg10[%add3A_81, %dma_start3A] : memref<64x32xi32, #tpu.memory_space<vmem>> -> memref<1x32xi32, #tpu.memory_space<vmem>>
            %dma_start3A_96 = tpu.memref_squeeze %dma_start3A_95 : memref<1x32xi32, #tpu.memory_space<vmem>> -> memref<32xi32, #tpu.memory_space<vmem>>
            %dma_start3A_97 = arith.constant 0 : i32
            %dma_start3A_98 = arith.constant 0 : i32
            %dma_start3A_99 = tpu.memref_slice %arg2[%dma_start3A_97, %dma_start3A_98] : memref<50000x384xf32, #tpu.memory_space<hbm>> -> memref<50000x384xf32, #tpu.memory_space<hbm>>
            tpu.enqueue_indirect_dma source(%dma_start3A_99 : memref<50000x384xf32, #tpu.memory_space<hbm>>) target(%arg13 : memref<32x384xf32, #tpu.memory_space<vmem>>) offsets(%dma_start3A_96 : memref<32xi32, #tpu.memory_space<vmem>>) semaphore(%arg15 : memref<!tpu.dma_semaphore, #tpu.memory_space<semaphore_mem>>)
          } else {
          }
          %dma_wait3A = arith.constant 0 : i32
          %dma_wait3A_85 = tpu.memref_slice %arg10[%mul3A_79, %dma_wait3A] : memref<64x32xi32, #tpu.memory_space<vmem>> -> memref<1x32xi32, #tpu.memory_space<vmem>>
          %dma_wait3A_86 = tpu.memref_squeeze %dma_wait3A_85 : memref<1x32xi32, #tpu.memory_space<vmem>> -> memref<32xi32, #tpu.memory_space<vmem>>
          %dma_wait3A_87 = arith.constant 0 : i32
          %dma_wait3A_88 = arith.constant 0 : i32
          %dma_wait3A_89 = tpu.memref_slice %arg2[%dma_wait3A_87, %dma_wait3A_88] : memref<50000x384xf32, #tpu.memory_space<hbm>> -> memref<50000x384xf32, #tpu.memory_space<hbm>>
          tpu.wait_indirect_dma semaphore(%arg14 : memref<!tpu.dma_semaphore, #tpu.memory_space<semaphore_mem>>) src(%dma_wait3A_89 : memref<50000x384xf32, #tpu.memory_space<hbm>>) dst(%arg12 : memref<32x384xf32, #tpu.memory_space<vmem>>)
          "tpu.region"() ({
            %run_scoped3A = tpu.sem_alloc : memref<!tpu.dma_semaphore, #tpu.memory_space<semaphore_mem>>
            %dma_start3A = arith.constant 0 : i32
            %dma_start3A_95 = tpu.memref_slice %arg11[%mul3A_79, %dma_start3A] : memref<64x32xi32, #tpu.memory_space<vmem>> -> memref<1x32xi32, #tpu.memory_space<vmem>>
            %dma_start3A_96 = tpu.memref_squeeze %dma_start3A_95 : memref<1x32xi32, #tpu.memory_space<vmem>> -> memref<32xi32, #tpu.memory_space<vmem>>
            %dma_start3A_97 = arith.constant 0 : i32
            %dma_start3A_98 = arith.constant 0 : i32
            %dma_start3A_99 = tpu.memref_slice %arg7[%dma_start3A_97, %dma_start3A_98] : memref<3856x384xf32, #tpu.memory_space<vmem_shared>> -> memref<3856x384xf32, #tpu.memory_space<vmem_shared>>
            tpu.enqueue_indirect_dma source(%arg12 : memref<32x384xf32, #tpu.memory_space<vmem>>) target(%dma_start3A_99 : memref<3856x384xf32, #tpu.memory_space<vmem_shared>>) offsets(%dma_start3A_96 : memref<32xi32, #tpu.memory_space<vmem>>) semaphore(%run_scoped3A : memref<!tpu.dma_semaphore, #tpu.memory_space<semaphore_mem>>) {add = true}
            %dma_wait3A_100 = arith.constant 0 : i32
            %dma_wait3A_101 = tpu.memref_slice %arg11[%mul3A_79, %dma_wait3A_100] : memref<64x32xi32, #tpu.memory_space<vmem>> -> memref<1x32xi32, #tpu.memory_space<vmem>>
            %dma_wait3A_102 = tpu.memref_squeeze %dma_wait3A_101 : memref<1x32xi32, #tpu.memory_space<vmem>> -> memref<32xi32, #tpu.memory_space<vmem>>
            %dma_wait3A_103 = arith.constant 0 : i32
            %dma_wait3A_104 = arith.constant 0 : i32
            %dma_wait3A_105 = tpu.memref_slice %arg7[%dma_wait3A_103, %dma_wait3A_104] : memref<3856x384xf32, #tpu.memory_space<vmem_shared>> -> memref<3856x384xf32, #tpu.memory_space<vmem_shared>>
            tpu.wait_indirect_dma semaphore(%run_scoped3A : memref<!tpu.dma_semaphore, #tpu.memory_space<semaphore_mem>>) src(%arg12 : memref<32x384xf32, #tpu.memory_space<vmem>>) dst(%dma_wait3A_105 : memref<3856x384xf32, #tpu.memory_space<vmem_shared>>)
            tpu.yield
          }) : () -> ()
          %lt3A_90 = arith.cmpi slt, %add3A_81, %shift_right_arithmetic3A_45 : i32
          %convert_element_type3A_91 = arith.extui %lt3A_90 : i1 to i32
          %cond3A_92 = arith.constant 0 : i32
          %cond3A_93 = arith.cmpi ne, %convert_element_type3A_91, %cond3A_92 : i32
          scf.if %cond3A_93 {
            %add3A_95 = arith.constant 1 : i32
            %add3A_96 = arith.addi %add3A_81, %add3A_95 : i32
            %lt3A_97 = arith.cmpi slt, %add3A_96, %shift_right_arithmetic3A_45 : i32
            %convert_element_type3A_98 = arith.extui %lt3A_97 : i1 to i32
            %cond3A_99 = arith.constant 0 : i32
            %cond3A_100 = arith.cmpi ne, %convert_element_type3A_98, %cond3A_99 : i32
            scf.if %cond3A_100 {
              %add3A_107 = arith.constant 1 : i32
              %add3A_108 = arith.addi %add3A_81, %add3A_107 : i32
              %dma_start3A = arith.constant 0 : i32
              %dma_start3A_109 = tpu.memref_slice %arg10[%add3A_108, %dma_start3A] : memref<64x32xi32, #tpu.memory_space<vmem>> -> memref<1x32xi32, #tpu.memory_space<vmem>>
              %dma_start3A_110 = tpu.memref_squeeze %dma_start3A_109 : memref<1x32xi32, #tpu.memory_space<vmem>> -> memref<32xi32, #tpu.memory_space<vmem>>
              %dma_start3A_111 = arith.constant 0 : i32
              %dma_start3A_112 = arith.constant 0 : i32
              %dma_start3A_113 = tpu.memref_slice %arg2[%dma_start3A_111, %dma_start3A_112] : memref<50000x384xf32, #tpu.memory_space<hbm>> -> memref<50000x384xf32, #tpu.memory_space<hbm>>
              tpu.enqueue_indirect_dma source(%dma_start3A_113 : memref<50000x384xf32, #tpu.memory_space<hbm>>) target(%arg12 : memref<32x384xf32, #tpu.memory_space<vmem>>) offsets(%dma_start3A_110 : memref<32xi32, #tpu.memory_space<vmem>>) semaphore(%arg14 : memref<!tpu.dma_semaphore, #tpu.memory_space<semaphore_mem>>)
            } else {
            }
            %dma_wait3A_101 = arith.constant 0 : i32
            %dma_wait3A_102 = tpu.memref_slice %arg10[%add3A_81, %dma_wait3A_101] : memref<64x32xi32, #tpu.memory_space<vmem>> -> memref<1x32xi32, #tpu.memory_space<vmem>>
            %dma_wait3A_103 = tpu.memref_squeeze %dma_wait3A_102 : memref<1x32xi32, #tpu.memory_space<vmem>> -> memref<32xi32, #tpu.memory_space<vmem>>
            %dma_wait3A_104 = arith.constant 0 : i32
            %dma_wait3A_105 = arith.constant 0 : i32
            %dma_wait3A_106 = tpu.memref_slice %arg2[%dma_wait3A_104, %dma_wait3A_105] : memref<50000x384xf32, #tpu.memory_space<hbm>> -> memref<50000x384xf32, #tpu.memory_space<hbm>>
            tpu.wait_indirect_dma semaphore(%arg15 : memref<!tpu.dma_semaphore, #tpu.memory_space<semaphore_mem>>) src(%dma_wait3A_106 : memref<50000x384xf32, #tpu.memory_space<hbm>>) dst(%arg13 : memref<32x384xf32, #tpu.memory_space<vmem>>)
            "tpu.region"() ({
              %run_scoped3A = tpu.sem_alloc : memref<!tpu.dma_semaphore, #tpu.memory_space<semaphore_mem>>
              %dma_start3A = arith.constant 0 : i32
              %dma_start3A_107 = tpu.memref_slice %arg11[%add3A_81, %dma_start3A] : memref<64x32xi32, #tpu.memory_space<vmem>> -> memref<1x32xi32, #tpu.memory_space<vmem>>
              %dma_start3A_108 = tpu.memref_squeeze %dma_start3A_107 : memref<1x32xi32, #tpu.memory_space<vmem>> -> memref<32xi32, #tpu.memory_space<vmem>>
              %dma_start3A_109 = arith.constant 0 : i32
              %dma_start3A_110 = arith.constant 0 : i32
              %dma_start3A_111 = tpu.memref_slice %arg7[%dma_start3A_109, %dma_start3A_110] : memref<3856x384xf32, #tpu.memory_space<vmem_shared>> -> memref<3856x384xf32, #tpu.memory_space<vmem_shared>>
              tpu.enqueue_indirect_dma source(%arg13 : memref<32x384xf32, #tpu.memory_space<vmem>>) target(%dma_start3A_111 : memref<3856x384xf32, #tpu.memory_space<vmem_shared>>) offsets(%dma_start3A_108 : memref<32xi32, #tpu.memory_space<vmem>>) semaphore(%run_scoped3A : memref<!tpu.dma_semaphore, #tpu.memory_space<semaphore_mem>>) {add = true}
              %dma_wait3A_112 = arith.constant 0 : i32
              %dma_wait3A_113 = tpu.memref_slice %arg11[%add3A_81, %dma_wait3A_112] : memref<64x32xi32, #tpu.memory_space<vmem>> -> memref<1x32xi32, #tpu.memory_space<vmem>>
              %dma_wait3A_114 = tpu.memref_squeeze %dma_wait3A_113 : memref<1x32xi32, #tpu.memory_space<vmem>> -> memref<32xi32, #tpu.memory_space<vmem>>
              %dma_wait3A_115 = arith.constant 0 : i32
              %dma_wait3A_116 = arith.constant 0 : i32
              %dma_wait3A_117 = tpu.memref_slice %arg7[%dma_wait3A_115, %dma_wait3A_116] : memref<3856x384xf32, #tpu.memory_space<vmem_shared>> -> memref<3856x384xf32, #tpu.memory_space<vmem_shared>>
              tpu.wait_indirect_dma semaphore(%run_scoped3A : memref<!tpu.dma_semaphore, #tpu.memory_space<semaphore_mem>>) src(%arg13 : memref<32x384xf32, #tpu.memory_space<vmem>>) dst(%dma_wait3A_117 : memref<3856x384xf32, #tpu.memory_space<vmem_shared>>)
              tpu.yield
            }) : () -> ()
          } else {
          }
          %while3A_94 = arith.constant 0 : i32
          scf.yield %while3A_94 : i32
        }
        %scan3A_75 = arith.constant 0 : i32
        scf.yield %scan3A_75 : i32
      }
      %scan3A_21 = arith.constant 25 : i32
      %barrier3A_22 = arith.constant 0 : index
      tpu.barrier barrier_id(%barrier3A_22)
      %mul3A_23 = arith.constant 240 : i32
      %mul3A_24 = arith.muli %arg1, %mul3A_23 : i32
      %add3A_25 = arith.addi %mul3A_10, %mul3A_24 : i32
      "tpu.region"() ({
        %run_scoped3A = tpu.sem_alloc : memref<!tpu.dma_semaphore, #tpu.memory_space<semaphore_mem>>
        %dma_start3A = arith.constant 0 : i32
        %dma_start3A_28 = tpu.memref_slice %arg6[%add3A_25, %dma_start3A] : memref<53760x384xf32, #tpu.memory_space<hbm>> -> memref<240x384xf32, #tpu.memory_space<hbm>>
        %dma_start3A_29 = arith.constant 0 : i32
        %dma_start3A_30 = tpu.memref_slice %arg7[%mul3A_24, %dma_start3A_29] : memref<3856x384xf32, #tpu.memory_space<vmem_shared>> -> memref<240x384xf32, #tpu.memory_space<vmem_shared>>
        tpu.enqueue_dma source(%dma_start3A_30 : memref<240x384xf32, #tpu.memory_space<vmem_shared>>) target(%dma_start3A_28 : memref<240x384xf32, #tpu.memory_space<hbm>>) target_semaphore(%run_scoped3A : memref<!tpu.dma_semaphore, #tpu.memory_space<semaphore_mem>>)
        %dma_wait3A = arith.constant 0 : i32
        %dma_wait3A_31 = tpu.memref_slice %arg6[%add3A_25, %dma_wait3A] : memref<53760x384xf32, #tpu.memory_space<hbm>> -> memref<240x384xf32, #tpu.memory_space<hbm>>
        %dma_wait3A_32 = arith.constant 0 : i32
        %dma_wait3A_33 = tpu.memref_slice %arg7[%mul3A_24, %dma_wait3A_32] : memref<3856x384xf32, #tpu.memory_space<vmem_shared>> -> memref<240x384xf32, #tpu.memory_space<vmem_shared>>
        tpu.wait_dma2 semaphore(%run_scoped3A : memref<!tpu.dma_semaphore, #tpu.memory_space<semaphore_mem>>) src(%dma_wait3A_33 : memref<240x384xf32, #tpu.memory_space<vmem_shared>>) dst(%dma_wait3A_31 : memref<240x384xf32, #tpu.memory_space<hbm>>)
        tpu.yield
      }) : () -> ()
      %barrier3A_26 = arith.constant 0 : index
      tpu.barrier barrier_id(%barrier3A_26)
      %scan3A_27 = arith.constant 0 : i32
      scf.yield %scan3A_27 : i32
    }
    %scan3A_5 = arith.constant 7 : i32
    return
  }
}

module attributes {stable_mosaic.version = 14 : i64} {
  func.func @_g1_body(%arg0: i32, %arg1: memref<1000x78xf32, #tpu.memory_space<vmem>>, %arg2: memref<78x384xf32, #tpu.memory_space<vmem>>, %arg3: memref<1000x32xf32, #tpu.memory_space<vmem>>, %arg4: memref<1000x384xf32, #tpu.memory_space<vmem>>, %arg5: memref<1000x1xf32, #tpu.memory_space<vmem>>) attributes {dimension_semantics = [#tpu.dimension_semantics<parallel>], iteration_bounds = array<i64: 50>, scalar_prefetch = 0 : i64, scratch_operands = 0 : i64, tpu.core_type = #tpu.core_type<tc>, window_params = [{transform_indices = @transform_0, window_bounds = array<i64: 1000, 78>}, {pipeline_mode = #tpu.pipeline_mode<synchronous>, transform_indices = @transform_1, window_bounds = array<i64: 78, 384>}, {transform_indices = @transform_2, window_bounds = array<i64: 1000, 32>}, {transform_indices = @transform_3, window_bounds = array<i64: 1000, 384>}, {transform_indices = @transform_4, window_bounds = array<i64: 1000, 1>}]} {
    %get3A = arith.constant 0 : index
    %get3A_0 = arith.constant 0 : index
    %get3A_1 = vector.load %arg3[%get3A, %get3A_0] : memref<1000x32xf32, #tpu.memory_space<vmem>>, vector<1000x32xf32>
    %broadcast_in_dim3A = arith.constant 1.000000e+00 : f32
    %broadcast_in_dim3A_2 = vector.broadcast %broadcast_in_dim3A : f32 to vector<32x1xf32>
    %dot_general3A = arith.constant dense<0.000000e+00> : vector<1000x1xf32>
    %dot_general3A_3 = tpu.matmul %get3A_1, %broadcast_in_dim3A_2, %dot_general3A {dimension_numbers = #tpu.dot_dimension_numbers<[1], [0], [0], [1], [0, 0, 1, 1], [], []>, transpose_lhs_hint = false} : vector<1000x32xf32>, vector<32x1xf32>, vector<1000x1xf32> -> vector<1000x1xf32>
    %add3A = arith.constant 1.000000e+00 : f32
    %add3A_4 = vector.broadcast %add3A : f32 to vector<1000x1xf32>
    %add3A_5 = arith.addf %dot_general3A_3, %add3A_4 : vector<1000x1xf32>
    %rsqrt3A = math.rsqrt %add3A_5 : vector<1000x1xf32>
    %get3A_6 = arith.constant 0 : index
    %get3A_7 = arith.constant 0 : index
    %get3A_8 = vector.load %arg1[%get3A_6, %get3A_7] : memref<1000x78xf32, #tpu.memory_space<vmem>>, vector<1000x78xf32>
    %get3A_9 = arith.constant 0 : index
    %get3A_10 = arith.constant 0 : index
    %get3A_11 = vector.load %arg2[%get3A_9, %get3A_10] : memref<78x384xf32, #tpu.memory_space<vmem>>, vector<78x384xf32>
    %dot_general3A_12 = arith.constant dense<0.000000e+00> : vector<1000x384xf32>
    %dot_general3A_13 = tpu.matmul %get3A_8, %get3A_11, %dot_general3A_12 {dimension_numbers = #tpu.dot_dimension_numbers<[1], [0], [0], [1], [0, 0, 1, 1], [], []>, transpose_lhs_hint = false} : vector<1000x78xf32>, vector<78x384xf32>, vector<1000x384xf32> -> vector<1000x384xf32>
    %mul3A = vector.broadcast %rsqrt3A : vector<1000x1xf32> to vector<1000x384xf32>
    %mul3A_14 = arith.mulf %mul3A, %dot_general3A_13 : vector<1000x384xf32>
    %swap3A = arith.constant 0 : index
    %swap3A_15 = arith.constant 0 : index
    %swap3A_16 = vector.load %arg4[%swap3A, %swap3A_15] : memref<1000x384xf32, #tpu.memory_space<vmem>>, vector<1000x384xf32>
    tpu.vector_store %arg4[%swap3A, %swap3A_15], %mul3A_14 {strides = array<i32>} : memref<1000x384xf32, #tpu.memory_space<vmem>>, vector<1000x384xf32>,
    %swap3A_17 = arith.constant 0 : index
    %swap3A_18 = arith.constant 0 : index
    %swap3A_19 = vector.load %arg5[%swap3A_17, %swap3A_18] : memref<1000x1xf32, #tpu.memory_space<vmem>>, vector<1000x1xf32>
    tpu.vector_store %arg5[%swap3A_17, %swap3A_18], %rsqrt3A {strides = array<i32>} : memref<1000x1xf32, #tpu.memory_space<vmem>>, vector<1000x1xf32>,
    return
  }
  func.func @transform_0(%arg0: i32) -> (i32, i32) {
    %c0_i32 = arith.constant 0 : i32
    %c0_i32_0 = arith.constant 0 : i32
    return %arg0, %c0_i32 : i32, i32
  }
  func.func @transform_1(%arg0: i32) -> (i32, i32) {
    %c0_i32 = arith.constant 0 : i32
    %c0_i32_0 = arith.constant 0 : i32
    %c0_i32_1 = arith.constant 0 : i32
    return %c0_i32, %c0_i32_0 : i32, i32
  }
  func.func @transform_2(%arg0: i32) -> (i32, i32) {
    %c0_i32 = arith.constant 0 : i32
    %c0_i32_0 = arith.constant 0 : i32
    return %arg0, %c0_i32 : i32, i32
  }
  func.func @transform_3(%arg0: i32) -> (i32, i32) {
    %c0_i32 = arith.constant 0 : i32
    %c0_i32_0 = arith.constant 0 : i32
    return %arg0, %c0_i32 : i32, i32
  }
  func.func @transform_4(%arg0: i32) -> (i32, i32) {
    %c0_i32 = arith.constant 0 : i32
    %c0_i32_0 = arith.constant 0 : i32
    return %arg0, %c0_i32 : i32, i32
  }
}

module attributes {stable_mosaic.version = 14 : i64} {
  func.func @_g2_body(%arg0: i32, %arg1: memref<1000x384xf32, #tpu.memory_space<vmem>>, %arg2: memref<1000x384xf32, #tpu.memory_space<vmem>>, %arg3: memref<1000x1xf32, #tpu.memory_space<vmem>>, %arg4: memref<1x384xf32, #tpu.memory_space<vmem>>, %arg5: memref<384x384xf32, #tpu.memory_space<vmem>>, %arg6: memref<1000x384xf32, #tpu.memory_space<vmem>>) attributes {dimension_semantics = [#tpu.dimension_semantics<parallel>], iteration_bounds = array<i64: 50>, scalar_prefetch = 0 : i64, scratch_operands = 0 : i64, tpu.core_type = #tpu.core_type<tc>, window_params = [{transform_indices = @transform_0, window_bounds = array<i64: 1000, 384>}, {transform_indices = @transform_1, window_bounds = array<i64: 1000, 384>}, {transform_indices = @transform_2, window_bounds = array<i64: 1000, 1>}, {pipeline_mode = #tpu.pipeline_mode<synchronous>, transform_indices = @transform_3, window_bounds = array<i64: 1, 384>}, {pipeline_mode = #tpu.pipeline_mode<synchronous>, transform_indices = @transform_4, window_bounds = array<i64: 384, 384>}, {transform_indices = @transform_5, window_bounds = array<i64: 1000, 384>}]} {
    %get3A = arith.constant 0 : index
    %get3A_0 = arith.constant 0 : index
    %get3A_1 = vector.load %arg3[%get3A, %get3A_0] : memref<1000x1xf32, #tpu.memory_space<vmem>>, vector<1000x1xf32>
    %get3A_2 = arith.constant 0 : index
    %get3A_3 = arith.constant 0 : index
    %get3A_4 = vector.load %arg1[%get3A_2, %get3A_3] : memref<1000x384xf32, #tpu.memory_space<vmem>>, vector<1000x384xf32>
    %get3A_5 = arith.constant 0 : index
    %get3A_6 = arith.constant 0 : index
    %get3A_7 = vector.load %arg2[%get3A_5, %get3A_6] : memref<1000x384xf32, #tpu.memory_space<vmem>>, vector<1000x384xf32>
    %add3A = arith.addf %get3A_4, %get3A_7 : vector<1000x384xf32>
    %mul3A = vector.broadcast %get3A_1 : vector<1000x1xf32> to vector<1000x384xf32>
    %mul3A_8 = arith.mulf %mul3A, %add3A : vector<1000x384xf32>
    %get3A_9 = arith.constant 0 : index
    %get3A_10 = arith.constant 0 : index
    %get3A_11 = vector.load %arg4[%get3A_9, %get3A_10] : memref<1x384xf32, #tpu.memory_space<vmem>>, vector<1x384xf32>
    %add3A_12 = vector.broadcast %get3A_11 : vector<1x384xf32> to vector<1000x384xf32>
    %add3A_13 = arith.addf %mul3A_8, %add3A_12 : vector<1000x384xf32>
    %max3A = arith.constant 0.000000e+00 : f32
    %max3A_14 = vector.broadcast %max3A : f32 to vector<1000x384xf32>
    %max3A_15 = arith.maximumf %add3A_13, %max3A_14 : vector<1000x384xf32>
    %get3A_16 = arith.constant 0 : index
    %get3A_17 = arith.constant 0 : index
    %get3A_18 = vector.load %arg5[%get3A_16, %get3A_17] : memref<384x384xf32, #tpu.memory_space<vmem>>, vector<384x384xf32>
    %dot_general3A = arith.constant dense<0.000000e+00> : vector<1000x384xf32>
    %dot_general3A_19 = tpu.matmul %max3A_15, %get3A_18, %dot_general3A {dimension_numbers = #tpu.dot_dimension_numbers<[1], [0], [0], [1], [0, 0, 1, 1], [], []>, transpose_lhs_hint = false} : vector<1000x384xf32>, vector<384x384xf32>, vector<1000x384xf32> -> vector<1000x384xf32>
    %mul3A_20 = vector.broadcast %get3A_1 : vector<1000x1xf32> to vector<1000x384xf32>
    %mul3A_21 = arith.mulf %mul3A_20, %dot_general3A_19 : vector<1000x384xf32>
    %swap3A = arith.constant 0 : index
    %swap3A_22 = arith.constant 0 : index
    %swap3A_23 = vector.load %arg6[%swap3A, %swap3A_22] : memref<1000x384xf32, #tpu.memory_space<vmem>>, vector<1000x384xf32>
    tpu.vector_store %arg6[%swap3A, %swap3A_22], %mul3A_21 {strides = array<i32>} : memref<1000x384xf32, #tpu.memory_space<vmem>>, vector<1000x384xf32>,
    return
  }
  func.func @transform_0(%arg0: i32) -> (i32, i32) {
    %c0_i32 = arith.constant 0 : i32
    %c0_i32_0 = arith.constant 0 : i32
    return %arg0, %c0_i32 : i32, i32
  }
  func.func @transform_1(%arg0: i32) -> (i32, i32) {
    %c0_i32 = arith.constant 0 : i32
    %c0_i32_0 = arith.constant 0 : i32
    return %arg0, %c0_i32 : i32, i32
  }
  func.func @transform_2(%arg0: i32) -> (i32, i32) {
    %c0_i32 = arith.constant 0 : i32
    %c0_i32_0 = arith.constant 0 : i32
    return %arg0, %c0_i32 : i32, i32
  }
  func.func @transform_3(%arg0: i32) -> (i32, i32) {
    %c0_i32 = arith.constant 0 : i32
    %c0_i32_0 = arith.constant 0 : i32
    %c0_i32_1 = arith.constant 0 : i32
    return %c0_i32, %c0_i32_0 : i32, i32
  }
  func.func @transform_4(%arg0: i32) -> (i32, i32) {
    %c0_i32 = arith.constant 0 : i32
    %c0_i32_0 = arith.constant 0 : i32
    %c0_i32_1 = arith.constant 0 : i32
    return %c0_i32, %c0_i32_0 : i32, i32
  }
  func.func @transform_5(%arg0: i32) -> (i32, i32) {
    %c0_i32 = arith.constant 0 : i32
    %c0_i32_0 = arith.constant 0 : i32
    return %arg0, %c0_i32 : i32, i32
  }
}

module attributes {stable_mosaic.version = 14 : i64} {
  func.func @_pool_body(%arg0: i32, %arg1: memref<1000x384xf32, #tpu.memory_space<vmem>>, %arg2: memref<1000x384xf32, #tpu.memory_space<vmem>>, %arg3: memref<1000x1xf32, #tpu.memory_space<vmem>>, %arg4: memref<1x384xf32, #tpu.memory_space<vmem>>, %arg5: memref<1000x1xi32, #tpu.memory_space<vmem>>, %arg6: memref<384x1024xf32, #tpu.memory_space<vmem>>, %arg7: memref<1x1024xf32, #tpu.memory_space<vmem>>, %arg8: memref<1024x128xf32, #tpu.memory_space<vmem>>, %arg9: memref<1x128xf32, #tpu.memory_space<vmem>>, %arg10: memref<512x128xf32, #tpu.memory_space<vmem>>, %arg11: memref<512x384xf32, #tpu.memory_space<vmem>>) attributes {dimension_semantics = [#tpu.dimension_semantics<arbitrary>], iteration_bounds = array<i64: 50>, scalar_prefetch = 0 : i64, scratch_operands = 1 : i64, tpu.core_type = #tpu.core_type<tc>, window_params = [{transform_indices = @transform_0, window_bounds = array<i64: 1000, 384>}, {transform_indices = @transform_1, window_bounds = array<i64: 1000, 384>}, {transform_indices = @transform_2, window_bounds = array<i64: 1000, 1>}, {pipeline_mode = #tpu.pipeline_mode<synchronous>, transform_indices = @transform_3, window_bounds = array<i64: 1, 384>}, {transform_indices = @transform_4, window_bounds = array<i64: 1000, 1>}, {pipeline_mode = #tpu.pipeline_mode<synchronous>, transform_indices = @transform_5, window_bounds = array<i64: 384, 1024>}, {pipeline_mode = #tpu.pipeline_mode<synchronous>, transform_indices = @transform_6, window_bounds = array<i64: 1, 1024>}, {pipeline_mode = #tpu.pipeline_mode<synchronous>, transform_indices = @transform_7, window_bounds = array<i64: 1024, 128>}, {pipeline_mode = #tpu.pipeline_mode<synchronous>, transform_indices = @transform_8, window_bounds = array<i64: 1, 128>}, {pipeline_mode = #tpu.pipeline_mode<synchronous>, transform_indices = @transform_9, window_bounds = array<i64: 512, 128>}]} {
    %eq3A = arith.constant 0 : i32
    %eq3A_0 = arith.cmpi eq, %arg0, %eq3A : i32
    %convert_element_type3A = arith.extui %eq3A_0 : i1 to i32
    %cond3A = arith.constant 0 : i32
    %cond3A_1 = arith.cmpi ne, %convert_element_type3A, %cond3A : i32
    scf.if %cond3A_1 {
      %broadcast_in_dim3A = arith.constant -1.000000e+30 : f32
      %broadcast_in_dim3A_40 = vector.broadcast %broadcast_in_dim3A : f32 to vector<512x384xf32>
      %swap3A = arith.constant 0 : index
      %swap3A_41 = arith.constant 0 : index
      %swap3A_42 = vector.load %arg11[%swap3A, %swap3A_41] : memref<512x384xf32, #tpu.memory_space<vmem>>, vector<512x384xf32>
      tpu.vector_store %arg11[%swap3A, %swap3A_41], %broadcast_in_dim3A_40 {strides = array<i32>} : memref<512x384xf32, #tpu.memory_space<vmem>>, vector<512x384xf32>,
    } else {
    }
    %get3A = arith.constant 0 : index
    %get3A_2 = arith.constant 0 : index
    %get3A_3 = vector.load %arg3[%get3A, %get3A_2] : memref<1000x1xf32, #tpu.memory_space<vmem>>, vector<1000x1xf32>
    %get3A_4 = arith.constant 0 : index
    %get3A_5 = arith.constant 0 : index
    %get3A_6 = vector.load %arg1[%get3A_4, %get3A_5] : memref<1000x384xf32, #tpu.memory_space<vmem>>, vector<1000x384xf32>
    %get3A_7 = arith.constant 0 : index
    %get3A_8 = arith.constant 0 : index
    %get3A_9 = vector.load %arg2[%get3A_7, %get3A_8] : memref<1000x384xf32, #tpu.memory_space<vmem>>, vector<1000x384xf32>
    %add3A = arith.addf %get3A_6, %get3A_9 : vector<1000x384xf32>
    %mul3A = vector.broadcast %get3A_3 : vector<1000x1xf32> to vector<1000x384xf32>
    %mul3A_10 = arith.mulf %mul3A, %add3A : vector<1000x384xf32>
    %get3A_11 = arith.constant 0 : index
    %get3A_12 = arith.constant 0 : index
    %get3A_13 = vector.load %arg4[%get3A_11, %get3A_12] : memref<1x384xf32, #tpu.memory_space<vmem>>, vector<1x384xf32>
    %add3A_14 = vector.broadcast %get3A_13 : vector<1x384xf32> to vector<1000x384xf32>
    %add3A_15 = arith.addf %mul3A_10, %add3A_14 : vector<1000x384xf32>
    %max3A = arith.constant 0.000000e+00 : f32
    %max3A_16 = vector.broadcast %max3A : f32 to vector<1000x384xf32>
    %max3A_17 = arith.maximumf %add3A_15, %max3A_16 : vector<1000x384xf32>
    %get3A_18 = arith.constant 0 : index
    %get3A_19 = arith.constant 0 : index
    %get3A_20 = vector.load %arg5[%get3A_18, %get3A_19] : memref<1000x1xi32, #tpu.memory_space<vmem>>, vector<1000x1xi32>
    %slice3A = vector.extract_strided_slice %get3A_20 {offsets = [0, 0], sizes = [1, 1], strides = [1, 1]} : vector<1000x1xi32> to vector<1x1xi32>
    %squeeze3A = vector.extract %slice3A[0, 0] : i32 from vector<1x1xi32>
    %slice3A_21 = vector.extract_strided_slice %get3A_20 {offsets = [999, 0], sizes = [1, 1], strides = [1, 1]} : vector<1000x1xi32> to vector<1x1xi32>
    %squeeze3A_22 = vector.extract %slice3A_21[0, 0] : i32 from vector<1x1xi32>
    %add3A_23 = arith.constant 1 : i32
    %add3A_24 = arith.addi %squeeze3A_22, %add3A_23 : i32
    %while3A = arith.constant 0 : i32
    %while3A_25 = arith.subi %add3A_24, %squeeze3A : i32
    %while3A_26 = arith.addi %squeeze3A, %while3A_25 : i32
    %while3A_27 = arith.constant 1 : i32
    %while3A_28 = arith.divsi %while3A_25, %while3A_27 : i32
    %while3A_29 = arith.muli %while3A_28, %while3A_27 : i32
    %while3A_30 = arith.addi %squeeze3A, %while3A_29 : i32
    %while3A_31 = arith.constant 1 : i32
    %while3A_32 = scf.for %while3A_40 = %squeeze3A to %while3A_30 step %while3A_31 iter_args(%while3A_41 = %while3A) -> (i32)  : i32 {
      %eq3A_42 = vector.broadcast %while3A_40 : i32 to vector<1000x1xi32>
      %eq3A_43 = arith.cmpi eq, %get3A_20, %eq3A_42 : vector<1000x1xi32>
      %jit3A = arith.constant -1.000000e+30 : f32
      %broadcast_in_dim3A = vector.shape_cast %eq3A_43 : vector<1000x1xi1> to vector<1000x1xi1>
      %broadcast_in_dim3A_44 = vector.broadcast %broadcast_in_dim3A : vector<1000x1xi1> to vector<1000x384xi1>
      %broadcast_in_dim3A_45 = vector.broadcast %jit3A : f32 to vector<1000x384xf32>
      %select_n3A = arith.select %broadcast_in_dim3A_44, %max3A_17, %broadcast_in_dim3A_45 : vector<1000x384xi1>, vector<1000x384xf32>
      %reduce_max3A = arith.constant dense<0xFF800000> : vector<384xf32>
      %reduce_max3A_46 = vector.multi_reduction <maximumf>, %select_n3A, %reduce_max3A [0] : vector<1000x384xf32> to vector<384xf32>
      %broadcast_in_dim3A_47 = vector.shape_cast %reduce_max3A_46 : vector<384xf32> to vector<1x384xf32>
      %get3A_48 = arith.index_cast %while3A_40 : i32 to index
      %get3A_49 = arith.constant 0 : index
      %get3A_50 = vector.load %arg11[%get3A_48, %get3A_49] : memref<512x384xf32, #tpu.memory_space<vmem>>, vector<1x384xf32>
      %max3A_51 = arith.maximumf %get3A_50, %broadcast_in_dim3A_47 : vector<1x384xf32>
      %swap3A = arith.index_cast %while3A_40 : i32 to index
      %swap3A_52 = arith.constant 0 : index
      %swap3A_53 = vector.load %arg11[%swap3A, %swap3A_52] : memref<512x384xf32, #tpu.memory_space<vmem>>, vector<1x384xf32>
      tpu.vector_store %arg11[%swap3A, %swap3A_52], %max3A_51 {strides = array<i32>} : memref<512x384xf32, #tpu.memory_space<vmem>>, vector<1x384xf32>,
      %while3A_54 = arith.constant 0 : i32
      scf.yield %while3A_54 : i32
    }
    %while3A_33 = arith.constant 1 : i32
    %while3A_34 = scf.for %while3A_40 = %while3A_30 to %while3A_26 step %while3A_33 iter_args(%while3A_41 = %while3A_32) -> (i32)  : i32 {
      %eq3A_42 = vector.broadcast %while3A_40 : i32 to vector<1000x1xi32>
      %eq3A_43 = arith.cmpi eq, %get3A_20, %eq3A_42 : vector<1000x1xi32>
      %jit3A = arith.constant -1.000000e+30 : f32
      %broadcast_in_dim3A = vector.shape_cast %eq3A_43 : vector<1000x1xi1> to vector<1000x1xi1>
      %broadcast_in_dim3A_44 = vector.broadcast %broadcast_in_dim3A : vector<1000x1xi1> to vector<1000x384xi1>
      %broadcast_in_dim3A_45 = vector.broadcast %jit3A : f32 to vector<1000x384xf32>
      %select_n3A = arith.select %broadcast_in_dim3A_44, %max3A_17, %broadcast_in_dim3A_45 : vector<1000x384xi1>, vector<1000x384xf32>
      %reduce_max3A = arith.constant dense<0xFF800000> : vector<384xf32>
      %reduce_max3A_46 = vector.multi_reduction <maximumf>, %select_n3A, %reduce_max3A [0] : vector<1000x384xf32> to vector<384xf32>
      %broadcast_in_dim3A_47 = vector.shape_cast %reduce_max3A_46 : vector<384xf32> to vector<1x384xf32>
      %get3A_48 = arith.index_cast %while3A_40 : i32 to index
      %get3A_49 = arith.constant 0 : index
      %get3A_50 = vector.load %arg11[%get3A_48, %get3A_49] : memref<512x384xf32, #tpu.memory_space<vmem>>, vector<1x384xf32>
      %max3A_51 = arith.maximumf %get3A_50, %broadcast_in_dim3A_47 : vector<1x384xf32>
      %swap3A = arith.index_cast %while3A_40 : i32 to index
      %swap3A_52 = arith.constant 0 : index
      %swap3A_53 = vector.load %arg11[%swap3A, %swap3A_52] : memref<512x384xf32, #tpu.memory_space<vmem>>, vector<1x384xf32>
      tpu.vector_store %arg11[%swap3A, %swap3A_52], %max3A_51 {strides = array<i32>} : memref<512x384xf32, #tpu.memory_space<vmem>>, vector<1x384xf32>,
      %while3A_54 = arith.constant 0 : i32
      scf.yield %while3A_54 : i32
    }
    %eq3A_35 = arith.constant 49 : i32
    %eq3A_36 = arith.cmpi eq, %arg0, %eq3A_35 : i32
    %convert_element_type3A_37 = arith.extui %eq3A_36 : i1 to i32
    %cond3A_38 = arith.constant 0 : i32
    %cond3A_39 = arith.cmpi ne, %convert_element_type3A_37, %cond3A_38 : i32
    scf.if %cond3A_39 {
      %get3A_40 = arith.constant 0 : index
      %get3A_41 = arith.constant 0 : index
      %get3A_42 = vector.load %arg11[%get3A_40, %get3A_41] : memref<512x384xf32, #tpu.memory_space<vmem>>, vector<512x384xf32>
      %max3A_43 = arith.constant 0.000000e+00 : f32
      %max3A_44 = vector.broadcast %max3A_43 : f32 to vector<512x384xf32>
      %max3A_45 = arith.maximumf %get3A_42, %max3A_44 : vector<512x384xf32>
      %get3A_46 = arith.constant 0 : index
      %get3A_47 = arith.constant 0 : index
      %get3A_48 = vector.load %arg6[%get3A_46, %get3A_47] : memref<384x1024xf32, #tpu.memory_space<vmem>>, vector<384x1024xf32>
      %dot_general3A = arith.constant dense<0.000000e+00> : vector<512x1024xf32>
      %dot_general3A_49 = tpu.matmul %max3A_45, %get3A_48, %dot_general3A {dimension_numbers = #tpu.dot_dimension_numbers<[1], [0], [0], [1], [0, 0, 1, 1], [], []>, transpose_lhs_hint = false} : vector<512x384xf32>, vector<384x1024xf32>, vector<512x1024xf32> -> vector<512x1024xf32>
      %get3A_50 = arith.constant 0 : index
      %get3A_51 = arith.constant 0 : index
      %get3A_52 = vector.load %arg7[%get3A_50, %get3A_51] : memref<1x1024xf32, #tpu.memory_space<vmem>>, vector<1x1024xf32>
      %add3A_53 = vector.broadcast %get3A_52 : vector<1x1024xf32> to vector<512x1024xf32>
      %add3A_54 = arith.addf %dot_general3A_49, %add3A_53 : vector<512x1024xf32>
      %max3A_55 = arith.constant 0.000000e+00 : f32
      %max3A_56 = vector.broadcast %max3A_55 : f32 to vector<512x1024xf32>
      %max3A_57 = arith.maximumf %add3A_54, %max3A_56 : vector<512x1024xf32>
      %get3A_58 = arith.constant 0 : index
      %get3A_59 = arith.constant 0 : index
      %get3A_60 = vector.load %arg8[%get3A_58, %get3A_59] : memref<1024x128xf32, #tpu.memory_space<vmem>>, vector<1024x128xf32>
      %dot_general3A_61 = arith.constant dense<0.000000e+00> : vector<512x128xf32>
      %dot_general3A_62 = tpu.matmul %max3A_57, %get3A_60, %dot_general3A_61 {dimension_numbers = #tpu.dot_dimension_numbers<[1], [0], [0], [1], [0, 0, 1, 1], [], []>, transpose_lhs_hint = false} : vector<512x1024xf32>, vector<1024x128xf32>, vector<512x128xf32> -> vector<512x128xf32>
      %get3A_63 = arith.constant 0 : index
      %get3A_64 = arith.constant 0 : index
      %get3A_65 = vector.load %arg9[%get3A_63, %get3A_64] : memref<1x128xf32, #tpu.memory_space<vmem>>, vector<1x128xf32>
      %add3A_66 = vector.broadcast %get3A_65 : vector<1x128xf32> to vector<512x128xf32>
      %add3A_67 = arith.addf %dot_general3A_62, %add3A_66 : vector<512x128xf32>
      %max3A_68 = arith.constant 0.000000e+00 : f32
      %max3A_69 = vector.broadcast %max3A_68 : f32 to vector<512x128xf32>
      %max3A_70 = arith.maximumf %add3A_67, %max3A_69 : vector<512x128xf32>
      %swap3A = arith.constant 0 : index
      %swap3A_71 = arith.constant 0 : index
      %swap3A_72 = vector.load %arg10[%swap3A, %swap3A_71] : memref<512x128xf32, #tpu.memory_space<vmem>>, vector<512x128xf32>
      tpu.vector_store %arg10[%swap3A, %swap3A_71], %max3A_70 {strides = array<i32>} : memref<512x128xf32, #tpu.memory_space<vmem>>, vector<512x128xf32>,
    } else {
    }
    return
  }
  func.func @transform_0(%arg0: i32) -> (i32, i32) {
    %c0_i32 = arith.constant 0 : i32
    %c0_i32_0 = arith.constant 0 : i32
    return %arg0, %c0_i32 : i32, i32
  }
  func.func @transform_1(%arg0: i32) -> (i32, i32) {
    %c0_i32 = arith.constant 0 : i32
    %c0_i32_0 = arith.constant 0 : i32
    return %arg0, %c0_i32 : i32, i32
  }
  func.func @transform_2(%arg0: i32) -> (i32, i32) {
    %c0_i32 = arith.constant 0 : i32
    %c0_i32_0 = arith.constant 0 : i32
    return %arg0, %c0_i32 : i32, i32
  }
  func.func @transform_3(%arg0: i32) -> (i32, i32) {
    %c0_i32 = arith.constant 0 : i32
    %c0_i32_0 = arith.constant 0 : i32
    %c0_i32_1 = arith.constant 0 : i32
    return %c0_i32, %c0_i32_0 : i32, i32
  }
  func.func @transform_4(%arg0: i32) -> (i32, i32) {
    %c0_i32 = arith.constant 0 : i32
    %c0_i32_0 = arith.constant 0 : i32
    return %arg0, %c0_i32 : i32, i32
  }
  func.func @transform_5(%arg0: i32) -> (i32, i32) {
    %c0_i32 = arith.constant 0 : i32
    %c0_i32_0 = arith.constant 0 : i32
    %c0_i32_1 = arith.constant 0 : i32
    return %c0_i32, %c0_i32_0 : i32, i32
  }
  func.func @transform_6(%arg0: i32) -> (i32, i32) {
    %c0_i32 = arith.constant 0 : i32
    %c0_i32_0 = arith.constant 0 : i32
    %c0_i32_1 = arith.constant 0 : i32
    return %c0_i32, %c0_i32_0 : i32, i32
  }
  func.func @transform_7(%arg0: i32) -> (i32, i32) {
    %c0_i32 = arith.constant 0 : i32
    %c0_i32_0 = arith.constant 0 : i32
    %c0_i32_1 = arith.constant 0 : i32
    return %c0_i32, %c0_i32_0 : i32, i32
  }
  func.func @transform_8(%arg0: i32) -> (i32, i32) {
    %c0_i32 = arith.constant 0 : i32
    %c0_i32_0 = arith.constant 0 : i32
    %c0_i32_1 = arith.constant 0 : i32
    return %c0_i32, %c0_i32_0 : i32, i32
  }
  func.func @transform_9(%arg0: i32) -> (i32, i32) {
    %c0_i32 = arith.constant 0 : i32
    %c0_i32_0 = arith.constant 0 : i32
    %c0_i32_1 = arith.constant 0 : i32
    return %c0_i32, %c0_i32_0 : i32, i32
  }
}

</mosaic_0001>

<sc_bundles>
// kernel: kernel.11.cloned.1.call-start
scs
__scs_entry_jumppad:
0x0: {  	(pc) =	sbr.rel $0x88, $3  }
0x1: {  	(tag) =	ssettag $0x0;
	lr =	simm.s32 $0x1  }
0x2: {  	[smem:$0x3F96] =	sst lr;
	_ =	strace $0xD0000000  }
0x3: {  	_ = 	snop  }
0x4: {  	_ = 	snop  }
0x5: {  	_ = 	snop  }
0x6: {  	_ = 	snop  }
0x7: {  	_ = 	snop  }
__scs_overlays_trampoline_lowered:
0x8: {  	[smem:$0x3FA5] =	sst s0  }
0x9: {  	[smem:$0x3FA6] =	sst s1  }
0xa: {  	[smem:$0x3FA7] =	sst s2  }
0xb: {  	[smem:$0x3FA8] =	sst s3  }
0xc: {  	[smem:$0x3FA9] =	sst s4  }
0xd: {  	[smem:$0x3FAA] =	sst s5  }
0xe: {  	[smem:$0x3FAB] =	sst s6  }
0xf: {  	[smem:$0x3FAC] =	sst s7  }
0x10: {  	[smem:$0x3FAD] =	sst s8  }
0x11: {  	[smem:$0x3FAE] =	sst s9;
	s0 =	simm.s32 @!p0 $0x0  }
0x12: {  	s1 =	sld [smem:$0x3F94];
	s0 =	simm.s32 @p0 $0x1  }
0x13: {  	[smem:$0x3FAF] =	sst s0;
	s0 =	simm.s32 @!p1 $0x0  }
0x14: {  	s2 =	sld [smem:$0x3F93];
	s0 =	simm.s32 @p1 $0x1  }
0x15: {  	[smem:$0x3FB0] =	sst s0;
	s0 =	simm.s32 @!p2 $0x0  }
0x16: {  	s3 =	sld [smem:$0x3FDB];
	s0 =	simm.s32 @p2 $0x1  }
0x17: {  	s4 =	simm.s32 $0x1BF5;
	[smem:$0x3FB2] =	sst s0  }
0x18: {  	s0 =	sld [smem:$0x3F95];
	_ =	swait.ge [sflag:s4], $0x0  }
0x19: {  	s7 =	sld [smem:$0x3F96]  }
0x1a: {  	s8 =	sadd.s32 $0xFFFFE003, lr  }
0x1b: {  	s9 =	sadd.s32 $0xFFFFFEF7, lr;
	s5 =	simm.s32 $0xFFFFFFFF;
	p2 =	slt.u32 s8, $0xFFFFF086  }
0x1c: {  	p1 =	slt.u32 s9, $0xF7A;
	s5 =	simm.s32 @!p2 $0x0  }
0x1d: {  	s5 =	simm.s32 @p1 $0x1;
	p0 =	seq.s32 s7, s2  }
0x1e: {  	s7 =	smul.u32 @!p0 $0xF7A, s2;
	p2 =	seq.s32 @!p0 s5, $0x0  }
0x1f: {  	s9 =	smul.u32 $0xF7A, s1;
	s8 =	simm.s32 @!p0 $0x1BF5;
	p2 =	por !p2, p0  }
0x20: {  	[sflag:s8] =	ssyncset.s32 @!p0 $0xFFFFF086;
	s6 =	sadd.s32 @!p0 s3, s7;
	s7 =	simm.s32 @!p0 $0x108  }
0x21: {  	s3 =	sadd.s32 s3, s9;
	s6 =	sadd.s32 @!p0 $0x88, s6;
	s7 =	simm.s32 @p2 $0x1082  }
0x22: {  	[simem:s7], [sflag:s8] =	dma.local @!p0 [hbm:s6], $0xF7A  }
0x23: {  	s9 =	sor.u32 $0xD0000000, s2;
	s6 =	simm.s32 $0x108;
	_ =	swait.ge @!p0 [sflag:s8], $0x0  }
0x24: {  	s3 =	sadd.s32 $0x88, s3;
	s6 =	simm.s32 @!p1 $0x1082;
	[sflag:s4] =	ssyncset.s32 $0xFFFFF086  }
0x25: {  	[simem:s6], [sflag:s4] =	dma.local [hbm:s3], $0xF7A  }
0x26: {  	[smem:$0x3F96] =	sst s1;
	(tag) =	ssettag s2;
	_ =	strace s9  }
0x27: {  	s1 =	sld [smem:$0x3FA6]  }
0x28: {  	s2 =	sld [smem:$0x3FA7]  }
0x29: {  	s4 =	sld [smem:$0x3FA9]  }
0x2a: {  	p0 =	seq.s32 s5, $0x0;
	s5 =	sld [smem:$0x3FAA]  }
0x2b: {  	s6 =	sld [smem:$0x3FAB]  }
0x2c: {  	s7 =	sld [smem:$0x3FAC]  }
0x2d: {  	s3 =	simm.s32 $0x108;
	s8 =	sld [smem:$0x3FAD]  }
0x2e: {  	s3 =	simm.s32 @!p0 $0x1082;
	s9 =	sld [smem:$0x3FAE]  }
0x2f: {  	lr =	sadd.s32 s0, s3;
	s0 =	sld [smem:$0x3FA5]  }
0x30: {  	s3 =	sld [smem:$0x3FA8]  }
0x31: {  	[smem:$0x3FB1] =	sst s10  }
0x32: {  	s10 =	sld [smem:$0x3FAF];
	_ =	sdelay $0x3  }
0x33: {  	p0 =	seq.s32 s10, $0x1;
	s10 =	sld [smem:$0x3FB1];
	_ =	sdelay $0x3  }
0x34: {  	[smem:$0x3FB1] =	sst s10  }
0x35: {  	s10 =	sld [smem:$0x3FB0];
	_ =	sdelay $0x3  }
0x36: {  	p1 =	seq.s32 s10, $0x1;
	s10 =	sld [smem:$0x3FB1];
	_ =	sdelay $0x3  }
0x37: {  	[smem:$0x3FB1] =	sst s10  }
0x38: {  	s10 =	sld [smem:$0x3FB2]  }
0x39: {  	_ = 	snop;
	(pc) =	sbr.ind lr, $3  }
0x3a: {  	_ = 	snop  }
0x3b: {  	_ = 	snop  }
0x3c: {  	p2 =	seq.s32 s10, $0x1;
	s10 =	sld [smem:$0x3FB1]  }
0x3d: {  	_ =	shalt  }
0x3e: {  	_ =	shalt  }
0x3f: {  	_ =	shalt  }
0x40: {  	_ =	shalt  }
0x41: {  	_ =	shalt  }
0x42: {  	_ =	shalt  }
0x43: {  	_ =	shalt  }
0x44: {  	_ =	shalt  }
0x45: {  	_ =	shalt  }
0x46: {  	_ =	shalt  }
0x47: {  	_ =	shalt  }
0x48: {  	_ =	shalt  }
0x49: {  	_ =	shalt  }
0x4a: {  	_ =	shalt  }
0x4b: {  	_ =	shalt  }
0x4c: {  	_ =	shalt  }
0x4d: {  	_ =	shalt  }
0x4e: {  	_ =	shalt  }
0x4f: {  	_ =	shalt  }
0x50: {  	_ =	shalt  }
0x51: {  	_ =	shalt  }
0x52: {  	_ =	shalt  }
0x53: {  	_ =	shalt  }
0x54: {  	_ =	shalt  }
0x55: {  	_ =	shalt  }
0x56: {  	_ =	shalt  }
0x57: {  	_ =	shalt  }
0x58: {  	_ =	shalt  }
0x59: {  	_ =	shalt  }
0x5a: {  	_ =	shalt  }
0x5b: {  	_ =	shalt  }
0x5c: {  	_ =	shalt  }
0x5d: {  	_ =	shalt  }
0x5e: {  	_ =	shalt  }
0x5f: {  	_ =	shalt  }
0x60: {  	_ =	shalt  }
0x61: {  	_ =	shalt  }
0x62: {  	_ =	shalt  }
0x63: {  	_ =	shalt  }
0x64: {  	_ =	shalt  }
0x65: {  	_ =	shalt  }
0x66: {  	_ =	shalt  }
0x67: {  	_ =	shalt  }
0x68: {  	_ =	shalt  }
0x69: {  	_ =	shalt  }
0x6a: {  	_ =	shalt  }
0x6b: {  	_ =	shalt  }
0x6c: {  	_ =	shalt  }
0x6d: {  	_ =	shalt  }
0x6e: {  	_ =	shalt  }
0x6f: {  	_ =	shalt  }
0x70: {  	_ =	shalt  }
0x71: {  	_ =	shalt  }
0x72: {  	_ =	shalt  }
0x73: {  	_ =	shalt  }
0x74: {  	_ =	shalt  }
0x75: {  	_ =	shalt  }
0x76: {  	_ =	shalt  }
0x77: {  	_ =	shalt  }
0x78: {  	_ =	shalt  }
0x79: {  	_ =	shalt  }
0x7a: {  	_ =	shalt  }
0x7b: {  	_ =	shalt  }
0x7c: {  	_ =	shalt  }
0x7d: {  	_ =	shalt  }
0x7e: {  	_ =	shalt  }
0x7f: {  	_ =	shalt  }
0x80: {  	_ =	shalt  }
0x81: {  	_ =	shalt  }
0x82: {  	_ =	shalt  }
0x83: {  	_ =	shalt  }
0x84: {  	_ =	shalt  }
0x85: {  	_ =	shalt  }
0x86: {  	_ =	shalt  }
0x87: {  	_ =	shalt  }
.Lfunc_end0:
.L_simem_size_0:
called_computation.1_lowered:
.L_overlay_start_0:
0x88: {  	s2 =	sld [smem:$0x3FD9]  }
0x89: {  	s3 =	sld [smem:$0x3FFE];
	_ =	sdelay $0x1  }
0x8a: {  	s1 =	srdreg.scid  }
0x8b: {  	s0 =	sand.u32 $0x1, s1  }
0x8c: {  	s16 =	sshll.u32 s0, $0xA;
	s2 =	sadd.s32 s3, s2  }
0x8d: {  	s2 =	sadd.s32 s2, s16  }
0x8e: {  	[smem:$0x3FBD] =	sst s2  }
0x8f: {  	_ = 	snop  }
0x90: {  	(tm) =	ssettm $0x1  }
0x91: {  	s17 =	sld [smem:$0x3FFB];
	_ =	sdelay $0x3  }
0x92: {  	_ =	strace s17  }
0x93: {  	s2 =	sld [smem:$0x3FFC];
	_ =	sdelay $0x3  }
0x94: {  	_ =	strace s2  }
0x95: {  	s2 =	sld [smem:$0x3FFD];
	_ =	sdelay $0x3  }
0x96: {  	_ =	strace s2  }
0x97: {  	_ =	strace $0x8FFFFFFF  }
0x98: {  	s18 =	sld [smem:$0x3FDB];
	_ =	sdelay $0x1  }
0x99: {  	s19 =	simm.s32 $_scs_section_size  }
0x9a: {  	s4 =	simm.s32 $_size__tile_overlayer_lowered;
	s5 =	simm.s32 $_tile_overlayer_lowered  }
0x9b: {  	s22 =	simm.s32 $0x1BFF;
	s21 =	sshll.u32 s5, $0x1;
	s2 =	sadd.s32 s19, s18  }
0x9c: {  	s6 =	simm.s32 $0x0;
	s20 =	sshll.u32 s4, $0x1;
	s4 =	sadd.s32 s21, s2  }
0x9d: {  	[timem:s6], [sflag:s22] =	dma.local [hbm:s4], s20  }
0x9e: {  	_ =	swait.ge [sflag:s22], s20  }
0x9f: {  	s3 =	ssub.s32 $0x0, s20;
	[sflag:s22] =	ssyncset.done $0x0  }
0xa0: {  	[sflag:s22] =	ssyncadd.s32 s3;
	_ =	sdelay $0x1  }
0xa1: {  	s23 =	simm.s32 $0x1B8B  }
0xa2: {  	_ =	swait.ge [sflag:s23], $0x1  }
0xa3: {  	[sflag:s23] =	ssyncset.done $0x0  }
0xa4: {  	s25 =	simm.s32 $0x1B8E;
	s24 =	sld [smem:$0x3FFE];
	[sflag:s23] =	ssyncadd.s32 $0xFFFFFFFF  }
0xa5: {  	s26 =	simm.s32 $execute0_lowered;
	[smem:$0x3FD2] =	sst s25  }
0xa6: {  	s4 =	sshll.u32 s26, $0x1;
	_ =	strace $0x80000049;
	[dreg:$0x1] =	wrdreg $0xFFFFFFFF  }
0xa7: {  	s28 =	simm.s32 $_size_execute0_lowered;
	s2 =	sadd.s32 s2, s4;
	[dreg:$0x0] =	wrdreg $0x0  }
0xa8: {  	s4 =	sshll.u32 s28, $0x1;
	[dreg:$0x2] =	wrdreg s2  }
0xa9: {  	[dreg:$0x3] =	wrdreg s4  }
0xaa: {  	[dreg:$0x4] =	wrdreg $0xC0  }
0xab: {  	_ =	task [dreg:s6], $0x5FFFF  }
0xac: {  	[dreg:$0x1] =	wrdreg $0xFFFFFFFF  }
0xad: {  	[dreg:$0x0] =	wrdreg $0x60  }
0xae: {  	[dreg:$0x2] =	wrdreg s24  }
0xaf: {  	[dreg:$0x3] =	wrdreg $0x0  }
0xb0: {  	[dreg:$0x4] =	wrdreg $0x9  }
0xb1: {  	_ =	task.clear_ibuf [dreg:s6], $0x5FFFF;
	_ =	strace $0x90000049  }
0xb2: {  	s29 =	simm.s32 $0x9;
	_ =	strace $0x8000004B  }
0xb3: {  	_ =	swait.ge [sflag:s29], $0x1  }
0xb4: {  	[sflag:s29] =	ssyncadd.s32 $0xFFFFFFFF  }
0xb5: {  	_ =	strace $0x9000004B  }
0xb6: {  	_ =	sfence  }
0xb7: {  	s30 =	sld [smem:$0x0];
	_ =	sdelay $0x2  }
0xb8: {  	s31 =	sshll.u32 s1, $0xD;
	s1 =	sshrl.u32 s1, $0x2  }
0xb9: {  	s3 =	sand.u32 $0x4000, s31;
	s1 =	sadd.s32 s1, s30  }
0xba: {  	s0 =	sor.u32 s3, s0;
	s1 =	sshll.u32 s1, $0x11  }
0xbb: {  	s0 =	sor.u32 s1, s0  }
0xbc: {  	s0 =	sadd.s32 $0x8F2B, s0  }
0xbd: {  	[sflag:s0] =	ssyncadd.remote.s32 $0x1  }
0xbe: {  	_ =	sfence.sel $0xFFFF  }
0xbf: {  	[dreg:$0x0] =	wrdreg $0xFFFFFFFF;
	(pc) =	sbr.abs _section_cstart, $3  }
0xc0: {  	[dreg:$0x1] =	wrdreg $0xFFFFFFFF  }
0xc1: {  	_ =	task.clear_ibuf [dreg:s6], $0x2FFFF;
	_ =	strace $0x9FFFFFFF  }
0xc2: {  	(tm) =	ssettm $0x7FFFFFFF  }
0xc3: {  	_ =	shalt  }
tec
execute0_lowered:
.L_overlay_start_1:
0x0: {  	(tag) =	ssettag $0x1  }
0x1: {  	s8 =	rddreg [dreg:$0x0]  }
0x2: {  	s1 =	rddreg [dreg:$0x1];
	s0 =	simm.s32 $0x0  }
0x3: {  	s6 =	srdreg.scid;
	s16 =	simm.s32 $0x16980;
	s17 =	simm.s32 $0x17180  }
0x4: {  	s18 =	simm.s32 $0x17980;
	s19 =	simm.s32 $0x18180;
	[smem:$0x7FF] =	sst s0  }
0x5: {  	s2 =	stileid.u32;
	s4 =	sadd.s32 $0x4F9800, s8;
	s5 =	sadd.s32 $0x10FC00, s8  }
0x6: {  	s9 =	sand.u32 $0x1, s6;
	s6 =	sadd.s32 $0x2800, s8;
	s11 =	smul.u32 $0x5A000, s2  }
0x7: {  	s15 =	simm.s32 $0x3;
	s7 =	sadd.s32 $0x128C00, s8;
	s8 =	sadd.s32 $0x743800, s8  }
.Ltmp0:
0x8: {  	s30 =	sshll.u32 s2, $0x6;
	s10 =	ssub.s32 $0x2, s9;
	(pc) =	sbr.rel .LBB2_1-.Ltmp0, $4  }
0x9: {  	_ =	strace $0x8000004A;
	s9 =	smul.u32 $0x7, s9;
	s12 =	sshrl.u32 s10, $0x1  }
0xa: {  	v0 =	vmov s2;
	s11 =	sshrl.u32 s11, $0x2;
	s13 =	ssub.s32 s10, s12;
	s10 =	smul.u32 $0xF0, s2  }
0xb: {  	v0 =	vor.u32 $0xF00, v0;
	s14 =	sadd.s32 s11, s1;
	s11 =	sor.u32 $0x1C03, s30;
	s31 =	smax.u32 s13, $0x1  }
0xc: {  	v1 =	vimm.s32 $0x0;
	v2 =	vlaneseq.u32;
	v0 =	vbroadcast v0, $0x0;
	s12 =	smul.u32 $0xC800, s2;
	s14 =	sshrl.u32 s14, $0x3;
	[dreg:$0x4] =	wrdreg s31  }
.LBB2_13:
0xd: {  	s0 =	rddreg [dreg:$0x3]  }
0xe: {  	s2 =	rddreg [dreg:$0x4];
	s0 =	sadd.s32 $0x1, s0  }
0xf: {  	p0 =	sne.s32 s0, s2  }
.Ltmp1:
0x10: {  	_ = 	snop;
	(pc) =	sbr.rel @!p0 .LBB2_14-.Ltmp1, $1  }
0x11: {  	_ =	sdelay $0x3  }
.LBB2_1:
.Ltmp2:
0x12: {  	(pc) =	sbr.rel .LBB2_2-.Ltmp2, $2  }
0x13: {  	_ =	sdelay $0x2  }
0x14: {  	[dreg:$0x3] =	wrdreg s0;
	s20 =	simm.s32 $0x0  }
.LBB2_12:
0x15: {  	s0 =	sadd.s32 s10, s21  }
0x16: {  	s0 =	smul.u32 $0x30, s0  }
0x17: {  	s20 =	sadd.s32 $0x1, s20  }
0x18: {  	[bflag:$0x0] =	sbarrier.arrive $0xFFFF;
	p0 =	sne.s32 s20, $0x7;
	s0 =	sadd.s32 s8, s0  }
0x19: {  	[hbm:s0], [sflag:s11] =	dma.local [spmem:s14], $0x2D00  }
.Ltmp3:
0x1a: {  	_ =	swait.ge [sflag:s15], $0x2D00;
	(pc) =	sbr.rel @!p0 .LBB2_13-.Ltmp3, $3  }
0x1b: {  	[sflag:s15] =	ssyncset.done $0x0  }
0x1c: {  	[sflag:s15] =	ssyncadd.s32 $0xFFFFD300  }
0x1d: {  	[bflag:$0x0] =	sbarrier.arrive $0xFFFF;
	_ =	sdelay $0x1  }
.LBB2_2:
0x1e: {  	[spmem:s14], [sflag:s11] =	dma.local [hbm:s7], $0x2D00  }
.Ltmp4:
0x1f: {  	s21 =	sadd.s32 s9, s20;
	_ =	swait.ge [sflag:s15], $0x2D00;
	(pc) =	sbr.rel .LBB2_3-.Ltmp4, $4  }
0x20: {  	s21 =	smul.u32 $0xF00, s21;
	[sflag:s15] =	ssyncset.done $0x0  }
0x21: {  	[sflag:s15] =	ssyncadd.s32 $0xFFFFD300  }
0x22: {  	s22 =	sadd.s32 $0xF00, s21;
	[bflag:$0x0] =	sbarrier.arrive $0xFFFF  }
0x23: {  	s23 =	simm.s32 $0x0;
	v3 =	vmov s21;
	v4 =	vmov s22;
	s22 =	simm.s32 $0x0  }
.LBB2_7:
0x24: {  	_ = 	snop  }
.LBB2_10:
0x25: {  	[sflag:s30] =	ssyncset.done @p1 $0x0  }
0x26: {  	s0 =	simm.s32 @p0 $0x1;
	[sflag:s30] =	ssyncadd.s32 @p1 $0xFFFFD000  }
0x27: {  	_ =	swait.ge @p0 [sflag:s0], $0x3000  }
0x28: {  	[sflag:s0] =	ssyncset.done @p0 $0x0  }
0x29: {  	s2 =	simm.s32 @p0 $0x20;
	s3 =	simm.s32 @p0 $0x18980;
	[sflag:s0] =	ssyncadd.s32 @p0 $0xFFFFD000  }
0x2a: {  	[spmem:s1] =	stream.indirect.scatter.add.f32 @p0 [tilespmem:s3], [sflag:$0x4], $0x180, s25, s2, $0xb8;
	[tilespmem:$0x1E980] =	vst v63  }
0x2b: {  	s0 =	simm.s32 @!p0 $0x20;
	s2 =	simm.s32 @!p0 $0x1B980;
	s3 =	simm.s32 @!p0 $0x1  }
0x2c: {  	[tilespmem:s2], [sflag:$0x2] =	stream.indirect.gather @!p0 [hbm4b:s4+s0], $0x180, s26, s0, $0xb8;
	[tilespmem:$0x1E980] =	vst v63  }
0x2d: {  	_ =	swait.ge @!p0 [sflag:s3], $0x3000  }
0x2e: {  	s13 =	sadd.s32 @!p0 $0x1, s28;
	s28 =	simm.s32 @!p0 $0x18980;
	[sflag:s3] =	ssyncset.done @!p0 $0x0  }
0x2f: {  	s29 =	simm.s32 @!p0 $0x4;
	p1 =	sge.s32 @!p0 s13, s24;
	[sflag:s3] =	ssyncadd.s32 @!p0 $0xFFFFD000  }
0x30: {  	[spmem:s1] =	stream.indirect.scatter.add.f32 @!p0 [tilespmem:s28], [sflag:$0x4], $0x180, s25, s0, $0xb8;
	[tilespmem:$0x1E980] =	vst v63  }
0x31: {  	p1 =	por p1, p0;
	_ =	swait.ge @!p0 [sflag:s29], $0x3000  }
0x32: {  	s13 =	simm.s32 @!p1 $0x20;
	s24 =	simm.s32 @!p1 $0x18980;
	[sflag:s29] =	ssyncset.done @!p0 $0x0  }
0x33: {  	s3 =	sadd.s32 @!p1 $0x20, s26;
	s26 =	simm.s32 @!p0 $0x2;
	[sflag:s29] =	ssyncadd.s32 @!p0 $0xFFFFD000  }
0x34: {  	[tilespmem:s24], [sflag:$0x1] =	stream.indirect.gather @!p1 [hbm4b:s4+s13], $0x180, s3, s13, $0xb8;
	[tilespmem:$0x1E980] =	vst v63  }
0x35: {  	_ =	swait.ge @!p0 [sflag:s26], $0x3000  }
0x36: {  	s3 =	simm.s32 @!p0 $0x3;
	[sflag:s26] =	ssyncset.done @!p0 $0x0  }
0x37: {  	s13 =	sadd.s32 @!p0 $0x20, s25;
	s3 =	simm.s32 @p0 $0x4;
	[sflag:s26] =	ssyncadd.s32 @!p0 $0xFFFFD000  }
0x38: {  	[spmem:s1] =	stream.indirect.scatter.add.f32 @!p0 [tilespmem:s2], [sflag:$0x3], $0x180, s13, s0, $0xb8;
	[tilespmem:$0x1E980] =	vst v63  }
0x39: {  	_ =	swait.ge [sflag:s3], $0x3000  }
0x3a: {  	[sflag:s3] =	ssyncset.done $0x0  }
0x3b: {  	[sflag:s3] =	ssyncadd.s32 $0xFFFFD000  }
.LBB2_11:
0x3c: {  	s23 =	sadd.s32 $0x1, s23  }
0x3d: {  	p0 =	sne.s32 s23, $0x19  }
.Ltmp5:
0x3e: {  	_ = 	snop;
	(pc) =	sbr.rel @!p0 .LBB2_12-.Ltmp5, $1  }
0x3f: {  	_ =	sdelay $0x3  }
.LBB2_3:
0x40: {  	s24 =	sshll.u32 s23, $0xB  }
0x41: {  	s24 =	sadd.s32 s12, s24  }
0x42: {  	s24 =	sshrl.u32 s24, $0x3  }
0x43: {  	s25 =	sadd.s32 s5, s24  }
0x44: {  	[tilespmem:s16], [sflag:$0x3] =	stream.linear.gather [hbm4b:s25+s22], $0x800, $0x38;
	[tilespmem:$0x1E980] =	vst v63  }
0x45: {  	_ =	swait.ge [sflag:s15], $0x800  }
0x46: {  	[sflag:s15] =	ssyncset.done $0x0  }
0x47: {  	s24 =	sadd.s32 s6, s24;
	[sflag:s15] =	ssyncadd.s32 $0xFFFFF800  }
0x48: {  	[tilespmem:s17], [sflag:$0x3] =	stream.linear.gather [hbm4b:s24+s22], $0x800, $0x38;
	[tilespmem:$0x1E980] =	vst v63  }
0x49: {  	_ =	swait.ge [sflag:s15], $0x800  }
0x4a: {  	[sflag:s15] =	ssyncset.done $0x0  }
0x4b: {  	s26 =	simm.s32 $0x0;
	[sflag:s15] =	ssyncadd.s32 $0xFFFFF800  }
0x4c: {  	v5 =	vld [tilespmem:s26+$0x17180];
	_ =	sdelay $0x4  }
0x4d: {  	vm0 =	vge.s32 v5, v3;
	vm1 =	vlt.s32 v5, v4  }
0x4e: {  	vm0 =	vmand vm0, vm1  }
0x4f: {  	v6 =	vsel vm0, $0x1, v1  }
0x50: {  	(xrf0) =	vadd.scan.msk.s32 $0xffff, v6;
	_ =	sdelay $0x4  }
0x51: {  	s28 =	simm.s32 $0x80;
	s25 =	simm.s32 $0x40;
	s24 =	simm.s32 $0x0  }
.LBB2_4:
0x52: {  	p0 =	sne.s32 s28, $0x1FC0;
	v7, _, _ =	vpop (xrf0)  }
0x53: {  	v6 =	vsub.s32 v7, v6;
	(v2sf) =	vpush v7, $0xF  }
0x54: {  	v7 =	vld [tilespmem:s26+$0x16980];
	v6 =	vadd.s32 s24, v6;
	_ =	sdelay $0x4  }
0x55: {  	v5 =	vsub.s32 v5, v3;
	[tilespmem:v6+s18+$0x0] =	vst.idx.msk vm0, v7  }
0x56: {  	s26 =	sshra.s32 s25, $0x2;
	s25 =	smov.u32 s28;
	[tilespmem:v6+s19+$0x0] =	vst.idx.msk vm0, v5  }
0x57: {  	v5 =	vld [tilespmem:s26+$0x17180];
	_ =	sdelay $0x4  }
0x58: {  	vm0 =	vge.s32 v5, v3;
	vm1 =	vlt.s32 v5, v4  }
0x59: {  	vm0 =	vmand vm0, vm1  }
0x5a: {  	v6 =	vsel vm0, $0x1, v1;
	s29 =	spop (v2sf)  }
0x5b: {  	(xrf0) =	vadd.scan.msk.s32 $0xffff, v6;
	s24 =	sadd.s32 s24, s29  }
.Ltmp6:
0x5c: {  	(pc) =	sbr.rel @p0 .LBB2_4-.Ltmp6, $2  }
0x5d: {  	_ =	sdelay $0x2  }
0x5e: {  	s28 =	sadd.s32 $0x40, s28  }
0x5f: {  	v7, _, _ =	vpop (xrf0)  }
0x60: {  	v6 =	vsub.s32 v7, v6  }
0x61: {  	v8 =	vld [tilespmem:s26+$0x16980];
	v6 =	vadd.s32 s24, v6;
	_ =	sdelay $0x4  }
0x62: {  	v5 =	vsub.s32 v5, v3;
	[tilespmem:v6+s18+$0x0] =	vst.idx.msk vm0, v8  }
0x63: {  	s25 =	sshra.s32 s25, $0x2;
	[tilespmem:v6+s19+$0x0] =	vst.idx.msk vm0, v5  }
0x64: {  	v5 =	vld [tilespmem:s25+$0x17180];
	_ =	sdelay $0x4  }
0x65: {  	vm14 =	vge.s32 v5, v3;
	vm1 =	vlt.s32 v5, v4  }
0x66: {  	vm0 =	vmand vm14, vm1  }
0x67: {  	v6 =	vsel vm0, $0x1, v1  }
0x68: {  	(xrf0) =	vadd.scan.msk.s32 $0xffff, v6;
	_ =	sdelay $0x5  }
0x69: {  	(v2sf) =	vpush v7, $0xF;
	v7, _, _ =	vpop (xrf0)  }
0x6a: {  	(v2sf) =	vpush v7, $0xF;
	_ =	sdelay $0xd  }
0x6b: {  	s3 =	spop (v2sf)  }
0x6c: {  	s13 =	sadd.s32 s24, s3;
	s28 =	spop (v2sf)  }
0x6d: {  	s26 =	sadd.s32 s13, s28  }
0x6e: {  	v6 =	vsub.s32 v7, v6;
	s28 =	sadd.s32 $0x1F, s26  }
0x6f: {  	v7 =	vld [tilespmem:s25+$0x16980];
	v6 =	vadd.s32 s13, v6;
	v63 =	vadd.s32 s26, v2;
	s29 =	sand.u32 $0xFFFFFFE0, s28  }
0x70: {  	s30 =	sadd.s32 $0x10, s26;
	vm15 =	vlt.s32 v63, s29  }
0x71: {  	v9 =	vadd.s32 s30, v2  }
0x72: {  	vm2 =	vlt.s32 v9, s29;
	_ =	sdelay $0x1  }
0x73: {  	v5 =	vsub.s32 v5, v3;
	[tilespmem:v6+s18+$0x0] =	vst.idx.msk vm0, v7  }
0x74: {  	[tilespmem:v6+s19+$0x0] =	vst.idx.msk vm0, v5  }
0x75: {  	[tilespmem:v63+s18+$0x0] =	vst.idx.msk vm15, v1  }
0x76: {  	s24 =	sshra.s32 s28, $0x5;
	[tilespmem:v63+s19+$0x0] =	vst.idx.msk vm15, v0  }
0x77: {  	p0 =	slt.s32 s24, $0x1;
	s31 =	sadd.s32 $0x1, s24;
	[tilespmem:v9+s18+$0x0] =	vst.idx.msk vm2, v1  }
0x78: {  	s25 =	simm.s32 @!p0 $0x20;
	s26 =	simm.s32 @!p0 $0x17980;
	s28 =	simm.s32 @!p0 $0x18980;
	[tilespmem:v9+s19+$0x0] =	vst.idx.msk vm2, v0  }
0x79: {  	[tilespmem:s28], [sflag:$0x1] =	stream.indirect.gather @!p0 [hbm4b:s4+s25], $0x180, s26, s25, $0xb8;
	[tilespmem:$0x1E980] =	vst v63  }
0x7a: {  	s25 =	sshra.s32 s31, $0x1  }
0x7b: {  	p0 =	slt.s32 s25, $0x1  }
.Ltmp7:
0x7c: {  	_ = 	snop;
	(pc) =	sbr.rel @p0 .LBB2_11-.Ltmp7, $1  }
0x7d: {  	_ =	sdelay $0x3  }
0x7e: {  	s29 =	sadd.s32 $0xFFFFFFFF, s25  }
0x7f: {  	p2 =	sne.s32 s29, $0x0  }
.Ltmp8:
0x80: {  	_ = 	snop;
	(pc) =	sbr.rel @!p2 .LBB2_7-.Ltmp8, $3  }
0x81: {  	_ =	sdelay $0x1  }
0x82: {  	s25 =	simm.s32 $0x18180;
	s26 =	simm.s32 $0x179A0  }
0x83: {  	s28 =	simm.s32 $0x1;
	p0 =	sle.s32 s24, $0x1;
	p1 =	por $0x0, $0x0  }
0x84: {  	s28 =	simm.s32 @p0 $0x1  }
0x85: {  	_ =	swait.ge @p0 [sflag:s28], $0x3000  }
0x86: {  	[sflag:s28] =	ssyncset.done @p0 $0x0  }
0x87: {  	s30 =	simm.s32 @p0 $0x20;
	s31 =	simm.s32 @p0 $0x18980;
	[sflag:s28] =	ssyncadd.s32 @p0 $0xFFFFD000  }
0x88: {  	[spmem:s1] =	stream.indirect.scatter.add.f32 @p0 [tilespmem:s31], [sflag:$0x4], $0x180, s25, s30, $0xb8;
	[tilespmem:$0x1E980] =	vst v63  }
0x89: {  	s28 =	simm.s32 @!p0 $0x20;
	s31 =	simm.s32 @!p0 $0x1B980;
	s30 =	simm.s32 @!p0 $0x1  }
0x8a: {  	[tilespmem:s31], [sflag:$0x2] =	stream.indirect.gather @!p0 [hbm4b:s4+s28], $0x180, s26, s28, $0xb8;
	[tilespmem:$0x1E980] =	vst v63  }
0x8b: {  	s0 =	simm.s32 @!p0 $0x4;
	_ =	swait.ge @!p0 [sflag:s30], $0x3000  }
0x8c: {  	p1 =	sle.s32 @!p0 s24, $0x2;
	s3 =	simm.s32 @!p0 $0x2;
	[sflag:s30] =	ssyncset.done @!p0 $0x0  }
0x8d: {  	s29 =	sadd.s32 $0xFFFFFFFF, s29;
	s26 =	simm.s32 @!p0 $0x18980;
	[sflag:s30] =	ssyncadd.s32 @!p0 $0xFFFFD000  }
0x8e: {  	[spmem:s1] =	stream.indirect.scatter.add.f32 @!p0 [tilespmem:s26], [sflag:$0x4], $0x180, s25, s28, $0xb8;
	[tilespmem:$0x1E980] =	vst v63  }
0x8f: {  	p1 =	por p1, p0;
	p2 =	sne.s32 s29, $0x0;
	_ =	swait.ge @!p0 [sflag:s0], $0x3000  }
0x90: {  	s30 =	simm.s32 @!p0 $0x3;
	s25 =	simm.s32 @!p1 $0x179C0;
	[sflag:s0] =	ssyncset.done @!p0 $0x0  }
0x91: {  	s26 =	simm.s32 @!p1 $0x20;
	[sflag:s0] =	ssyncadd.s32 @!p0 $0xFFFFD000;
	s0 =	simm.s32 @!p1 $0x18980  }
0x92: {  	[tilespmem:s0], [sflag:$0x1] =	stream.indirect.gather @!p1 [hbm4b:s4+s26], $0x180, s25, s26, $0xb8;
	[tilespmem:$0x1E980] =	vst v63  }
.Ltmp9:
0x93: {  	s30 =	simm.s32 @p0 $0x4;
	_ =	swait.ge @!p0 [sflag:s3], $0x3000;
	(pc) =	sbr.rel @!p2 .LBB2_10-.Ltmp9, $4  }
0x94: {  	s0 =	simm.s32 @!p0 $0x181A0;
	s26 =	simm.s32 $0x179E0;
	[sflag:s3] =	ssyncset.done @!p0 $0x0  }
0x95: {  	s25 =	simm.s32 $0x181C0;
	p1 =	por $0x1, $0x1;
	[sflag:s3] =	ssyncadd.s32 @!p0 $0xFFFFD000  }
0x96: {  	[spmem:s1] =	stream.indirect.scatter.add.f32 @!p0 [tilespmem:s31], [sflag:$0x3], $0x180, s0, s28, $0xb8;
	[tilespmem:$0x1E980] =	vst v63  }
0x97: {  	s28 =	simm.s32 $0x3;
	p0 =	sle.s32 s24, $0x3;
	_ =	swait.ge [sflag:s30], $0x3000  }
.LBB2_9:
0x98: {  	s29 =	sadd.s32 $0xFFFFFFFF, s29;
	s0 =	simm.s32 @p0 $0x1;
	[sflag:s30] =	ssyncset.done $0x0  }
0x99: {  	p2 =	sne.s32 s29, $0x0;
	[sflag:s30] =	ssyncadd.s32 $0xFFFFD000  }
0x9a: {  	_ =	swait.ge @p0 [sflag:s0], $0x3000  }
0x9b: {  	s3 =	simm.s32 @p0 $0x20;
	s30 =	simm.s32 @p0 $0x18980;
	[sflag:s0] =	ssyncset.done @p0 $0x0  }
0x9c: {  	[sflag:s0] =	ssyncadd.s32 @p0 $0xFFFFD000  }
0x9d: {  	[spmem:s1] =	stream.indirect.scatter.add.f32 @p0 [tilespmem:s30], [sflag:$0x4], $0x180, s25, s3, $0xb8;
	[tilespmem:$0x1E980] =	vst v63  }
0x9e: {  	s0 =	simm.s32 @!p0 $0x20;
	s3 =	simm.s32 @!p0 $0x1B980;
	s30 =	simm.s32 @!p0 $0x1  }
0x9f: {  	[tilespmem:s3], [sflag:$0x2] =	stream.indirect.gather @!p0 [hbm4b:s4+s0], $0x180, s26, s0, $0xb8;
	[tilespmem:$0x1E980] =	vst v63  }
0xa0: {  	s31 =	sadd.s32 @!p0 $0x1, s28;
	_ =	swait.ge @!p0 [sflag:s30], $0x3000  }
0xa1: {  	s13 =	simm.s32 @!p0 $0x18980;
	s2 =	simm.s32 @!p0 $0x4;
	[sflag:s30] =	ssyncset.done @!p0 $0x0  }
0xa2: {  	p3 =	sge.s32 @!p0 s31, s24;
	[sflag:s30] =	ssyncadd.s32 @!p0 $0xFFFFD000  }
0xa3: {  	[spmem:s1] =	stream.indirect.scatter.add.f32 @!p0 [tilespmem:s13], [sflag:$0x4], $0x180, s25, s0, $0xb8;
	[tilespmem:$0x1E980] =	vst v63  }
0xa4: {  	p3 =	por p3, p0;
	_ =	swait.ge @!p0 [sflag:s2], $0x3000  }
0xa5: {  	s30 =	simm.s32 @!p3 $0x20;
	s13 =	sadd.s32 @!p3 $0x20, s26;
	[sflag:s2] =	ssyncset.done @!p0 $0x0  }
0xa6: {  	s31 =	simm.s32 @!p0 $0x2;
	[sflag:s2] =	ssyncadd.s32 @!p0 $0xFFFFD000;
	s2 =	simm.s32 @!p3 $0x18980  }
0xa7: {  	[tilespmem:s2], [sflag:$0x1] =	stream.indirect.gather @!p3 [hbm4b:s4+s30], $0x180, s13, s30, $0xb8;
	[tilespmem:$0x1E980] =	vst v63  }
.Ltmp10:
0xa8: {  	s26 =	sadd.s32 $0x40, s26;
	_ =	swait.ge @!p0 [sflag:s31], $0x3000;
	(pc) =	sbr.rel @p2 .LBB2_9-.Ltmp10, $4  }
0xa9: {  	s2 =	sadd.s32 @!p0 $0x20, s25;
	s30 =	simm.s32 @!p0 $0x3;
	[sflag:s31] =	ssyncset.done @!p0 $0x0  }
0xaa: {  	s28 =	sadd.s32 $0x2, s28;
	s30 =	simm.s32 @p0 $0x4;
	[sflag:s31] =	ssyncadd.s32 @!p0 $0xFFFFD000  }
0xab: {  	[spmem:s1] =	stream.indirect.scatter.add.f32 @!p0 [tilespmem:s3], [sflag:$0x3], $0x180, s2, s0, $0xb8;
	[tilespmem:$0x1E980] =	vst v63  }
0xac: {  	s25 =	sadd.s32 $0x40, s25;
	p0 =	sge.s32 s28, s24;
	_ =	swait.ge [sflag:s30], $0x3000  }
.Ltmp11:
0xad: {  	_ = 	snop;
	(pc) =	sbr.rel .LBB2_10-.Ltmp11, $1  }
0xae: {  	_ =	sdelay $0x3  }
.LBB2_14:
0xaf: {  	_ =	sfence.sel $0x180000  }
0xb0: {  	[bflag:$0x0] =	sbarrier.arrive $0xFFFF  }
0xb1: {  	_ =	strace $0x9000004A  }
0xb2: {  	s0 =	stileid.u32;
	[bflag:$0x2] =	sbarrier.arrive $0xFFFF  }
0xb3: {  	p0 =	sne.s32 s0, $0x0;
	s0 =	rddreg [dreg:$0x2]  }
0xb4: {  	s0 =	sadd.s32 @!p0 $0x100000, s0  }
0xb5: {  	[sflag:s0] =	ssyncadd.tile.s32 @!p0 $0x1;
	_ =	shalt  }
.Lfunc_end2:
_tile_overlayer_lowered:
.L_overlay_start_2:
0xb6: {  	(tag) =	ssettag $0x2  }
0xb7: {  	s0 =	rddreg [dreg:$0x0];
	s2 =	stileid.u32  }
0xb8: {  	s1 =	rddreg [dreg:$0x1];
	p0 =	sne.s32 s2, $0x0  }
0xb9: {  	s3 =	rddreg [dreg:$0x2];
	[bflag:$0x3] =	sbarrier.arrive $0xFFFF;
	s2 =	simm.s32 @!p0 $0x1C03  }
0xba: {  	[timem:s3], [sflag:s2] =	dma.local @!p0 [hbm:s0], s1  }
0xbb: {  	s0 =	simm.s32 @!p0 $0x3  }
0xbc: {  	_ =	swait.ge @!p0 [sflag:s0], s1  }
0xbd: {  	s1 =	ssub.s32 @!p0 $0x0, s1;
	[sflag:s0] =	ssyncset.done @!p0 $0x0  }
0xbe: {  	[sflag:s0] =	ssyncadd.s32 @!p0 s1  }
0xbf: {  	[bflag:$0x3] =	sbarrier.arrive $0xFFFF  }
0xc0: {  	_ =	shalt  }

// kernel: kernel.14.cloned.1.call-start
scs
__scs_entry_jumppad:
0x0: {  	(pc) =	sbr.rel $0x88, $3  }
0x1: {  	(tag) =	ssettag $0x0;
	lr =	simm.s32 $0x1  }
0x2: {  	[smem:$0x3F96] =	sst lr;
	_ =	strace $0xD0000000  }
0x3: {  	_ = 	snop  }
0x4: {  	_ = 	snop  }
0x5: {  	_ = 	snop  }
0x6: {  	_ = 	snop  }
0x7: {  	_ = 	snop  }
__scs_overlays_trampoline_lowered:
0x8: {  	[smem:$0x3FA5] =	sst s0  }
0x9: {  	[smem:$0x3FA6] =	sst s1  }
0xa: {  	[smem:$0x3FA7] =	sst s2  }
0xb: {  	[smem:$0x3FA8] =	sst s3  }
0xc: {  	[smem:$0x3FA9] =	sst s4  }
0xd: {  	[smem:$0x3FAA] =	sst s5  }
0xe: {  	[smem:$0x3FAB] =	sst s6  }
0xf: {  	[smem:$0x3FAC] =	sst s7  }
0x10: {  	[smem:$0x3FAD] =	sst s8  }
0x11: {  	[smem:$0x3FAE] =	sst s9;
	s0 =	simm.s32 @!p0 $0x0  }
0x12: {  	s1 =	sld [smem:$0x3F94];
	s0 =	simm.s32 @p0 $0x1  }
0x13: {  	[smem:$0x3FAF] =	sst s0;
	s0 =	simm.s32 @!p1 $0x0  }
0x14: {  	s2 =	sld [smem:$0x3F93];
	s0 =	simm.s32 @p1 $0x1  }
0x15: {  	[smem:$0x3FB0] =	sst s0;
	s0 =	simm.s32 @!p2 $0x0  }
0x16: {  	s3 =	sld [smem:$0x3FDB];
	s0 =	simm.s32 @p2 $0x1  }
0x17: {  	s4 =	simm.s32 $0x1BF5;
	[smem:$0x3FB2] =	sst s0  }
0x18: {  	s0 =	sld [smem:$0x3F95];
	_ =	swait.ge [sflag:s4], $0x0  }
0x19: {  	s7 =	sld [smem:$0x3F96]  }
0x1a: {  	s8 =	sadd.s32 $0xFFFFE003, lr  }
0x1b: {  	s9 =	sadd.s32 $0xFFFFFEF7, lr;
	s5 =	simm.s32 $0xFFFFFFFF;
	p2 =	slt.u32 s8, $0xFFFFF086  }
0x1c: {  	p1 =	slt.u32 s9, $0xF7A;
	s5 =	simm.s32 @!p2 $0x0  }
0x1d: {  	s5 =	simm.s32 @p1 $0x1;
	p0 =	seq.s32 s7, s2  }
0x1e: {  	s7 =	smul.u32 @!p0 $0xF7A, s2;
	p2 =	seq.s32 @!p0 s5, $0x0  }
0x1f: {  	s9 =	smul.u32 $0xF7A, s1;
	s8 =	simm.s32 @!p0 $0x1BF5;
	p2 =	por !p2, p0  }
0x20: {  	[sflag:s8] =	ssyncset.s32 @!p0 $0xFFFFF086;
	s6 =	sadd.s32 @!p0 s3, s7;
	s7 =	simm.s32 @!p0 $0x108  }
0x21: {  	s3 =	sadd.s32 s3, s9;
	s6 =	sadd.s32 @!p0 $0x88, s6;
	s7 =	simm.s32 @p2 $0x1082  }
0x22: {  	[simem:s7], [sflag:s8] =	dma.local @!p0 [hbm:s6], $0xF7A  }
0x23: {  	s9 =	sor.u32 $0xD0000000, s2;
	s6 =	simm.s32 $0x108;
	_ =	swait.ge @!p0 [sflag:s8], $0x0  }
0x24: {  	s3 =	sadd.s32 $0x88, s3;
	s6 =	simm.s32 @!p1 $0x1082;
	[sflag:s4] =	ssyncset.s32 $0xFFFFF086  }
0x25: {  	[simem:s6], [sflag:s4] =	dma.local [hbm:s3], $0xF7A  }
0x26: {  	[smem:$0x3F96] =	sst s1;
	(tag) =	ssettag s2;
	_ =	strace s9  }
0x27: {  	s1 =	sld [smem:$0x3FA6]  }
0x28: {  	s2 =	sld [smem:$0x3FA7]  }
0x29: {  	s4 =	sld [smem:$0x3FA9]  }
0x2a: {  	p0 =	seq.s32 s5, $0x0;
	s5 =	sld [smem:$0x3FAA]  }
0x2b: {  	s6 =	sld [smem:$0x3FAB]  }
0x2c: {  	s7 =	sld [smem:$0x3FAC]  }
0x2d: {  	s3 =	simm.s32 $0x108;
	s8 =	sld [smem:$0x3FAD]  }
0x2e: {  	s3 =	simm.s32 @!p0 $0x1082;
	s9 =	sld [smem:$0x3FAE]  }
0x2f: {  	lr =	sadd.s32 s0, s3;
	s0 =	sld [smem:$0x3FA5]  }
0x30: {  	s3 =	sld [smem:$0x3FA8]  }
0x31: {  	[smem:$0x3FB1] =	sst s10  }
0x32: {  	s10 =	sld [smem:$0x3FAF];
	_ =	sdelay $0x3  }
0x33: {  	p0 =	seq.s32 s10, $0x1;
	s10 =	sld [smem:$0x3FB1];
	_ =	sdelay $0x3  }
0x34: {  	[smem:$0x3FB1] =	sst s10  }
0x35: {  	s10 =	sld [smem:$0x3FB0];
	_ =	sdelay $0x3  }
0x36: {  	p1 =	seq.s32 s10, $0x1;
	s10 =	sld [smem:$0x3FB1];
	_ =	sdelay $0x3  }
0x37: {  	[smem:$0x3FB1] =	sst s10  }
0x38: {  	s10 =	sld [smem:$0x3FB2]  }
0x39: {  	_ = 	snop;
	(pc) =	sbr.ind lr, $3  }
0x3a: {  	_ = 	snop  }
0x3b: {  	_ = 	snop  }
0x3c: {  	p2 =	seq.s32 s10, $0x1;
	s10 =	sld [smem:$0x3FB1]  }
0x3d: {  	_ =	shalt  }
0x3e: {  	_ =	shalt  }
0x3f: {  	_ =	shalt  }
0x40: {  	_ =	shalt  }
0x41: {  	_ =	shalt  }
0x42: {  	_ =	shalt  }
0x43: {  	_ =	shalt  }
0x44: {  	_ =	shalt  }
0x45: {  	_ =	shalt  }
0x46: {  	_ =	shalt  }
0x47: {  	_ =	shalt  }
0x48: {  	_ =	shalt  }
0x49: {  	_ =	shalt  }
0x4a: {  	_ =	shalt  }
0x4b: {  	_ =	shalt  }
0x4c: {  	_ =	shalt  }
0x4d: {  	_ =	shalt  }
0x4e: {  	_ =	shalt  }
0x4f: {  	_ =	shalt  }
0x50: {  	_ =	shalt  }
0x51: {  	_ =	shalt  }
0x52: {  	_ =	shalt  }
0x53: {  	_ =	shalt  }
0x54: {  	_ =	shalt  }
0x55: {  	_ =	shalt  }
0x56: {  	_ =	shalt  }
0x57: {  	_ =	shalt  }
0x58: {  	_ =	shalt  }
0x59: {  	_ =	shalt  }
0x5a: {  	_ =	shalt  }
0x5b: {  	_ =	shalt  }
0x5c: {  	_ =	shalt  }
0x5d: {  	_ =	shalt  }
0x5e: {  	_ =	shalt  }
0x5f: {  	_ =	shalt  }
0x60: {  	_ =	shalt  }
0x61: {  	_ =	shalt  }
0x62: {  	_ =	shalt  }
0x63: {  	_ =	shalt  }
0x64: {  	_ =	shalt  }
0x65: {  	_ =	shalt  }
0x66: {  	_ =	shalt  }
0x67: {  	_ =	shalt  }
0x68: {  	_ =	shalt  }
0x69: {  	_ =	shalt  }
0x6a: {  	_ =	shalt  }
0x6b: {  	_ =	shalt  }
0x6c: {  	_ =	shalt  }
0x6d: {  	_ =	shalt  }
0x6e: {  	_ =	shalt  }
0x6f: {  	_ =	shalt  }
0x70: {  	_ =	shalt  }
0x71: {  	_ =	shalt  }
0x72: {  	_ =	shalt  }
0x73: {  	_ =	shalt  }
0x74: {  	_ =	shalt  }
0x75: {  	_ =	shalt  }
0x76: {  	_ =	shalt  }
0x77: {  	_ =	shalt  }
0x78: {  	_ =	shalt  }
0x79: {  	_ =	shalt  }
0x7a: {  	_ =	shalt  }
0x7b: {  	_ =	shalt  }
0x7c: {  	_ =	shalt  }
0x7d: {  	_ =	shalt  }
0x7e: {  	_ =	shalt  }
0x7f: {  	_ =	shalt  }
0x80: {  	_ =	shalt  }
0x81: {  	_ =	shalt  }
0x82: {  	_ =	shalt  }
0x83: {  	_ =	shalt  }
0x84: {  	_ =	shalt  }
0x85: {  	_ =	shalt  }
0x86: {  	_ =	shalt  }
0x87: {  	_ =	shalt  }
.Lfunc_end0:
.L_simem_size_0:
called_computation.2_lowered:
.L_overlay_start_0:
0x88: {  	s2 =	sld [smem:$0x3FD9]  }
0x89: {  	s3 =	sld [smem:$0x3FFE];
	_ =	sdelay $0x1  }
0x8a: {  	s1 =	srdreg.scid  }
0x8b: {  	s0 =	sand.u32 $0x1, s1  }
0x8c: {  	s16 =	sshll.u32 s0, $0xA;
	s2 =	sadd.s32 s3, s2  }
0x8d: {  	s2 =	sadd.s32 s2, s16  }
0x8e: {  	[smem:$0x3FBD] =	sst s2  }
0x8f: {  	_ = 	snop  }
0x90: {  	(tm) =	ssettm $0x1  }
0x91: {  	s17 =	sld [smem:$0x3FFB];
	_ =	sdelay $0x3  }
0x92: {  	_ =	strace s17  }
0x93: {  	s2 =	sld [smem:$0x3FFC];
	_ =	sdelay $0x3  }
0x94: {  	_ =	strace s2  }
0x95: {  	s2 =	sld [smem:$0x3FFD];
	_ =	sdelay $0x3  }
0x96: {  	_ =	strace s2  }
0x97: {  	_ =	strace $0x8FFFFFFF  }
0x98: {  	s18 =	sld [smem:$0x3FDB];
	_ =	sdelay $0x1  }
0x99: {  	s19 =	simm.s32 $_scs_section_size  }
0x9a: {  	s4 =	simm.s32 $_size__tile_overlayer_lowered;
	s5 =	simm.s32 $_tile_overlayer_lowered  }
0x9b: {  	s22 =	simm.s32 $0x1BFF;
	s21 =	sshll.u32 s5, $0x1;
	s2 =	sadd.s32 s19, s18  }
0x9c: {  	s6 =	simm.s32 $0x0;
	s20 =	sshll.u32 s4, $0x1;
	s4 =	sadd.s32 s21, s2  }
0x9d: {  	[timem:s6], [sflag:s22] =	dma.local [hbm:s4], s20  }
0x9e: {  	_ =	swait.ge [sflag:s22], s20  }
0x9f: {  	s3 =	ssub.s32 $0x0, s20;
	[sflag:s22] =	ssyncset.done $0x0  }
0xa0: {  	[sflag:s22] =	ssyncadd.s32 s3;
	_ =	sdelay $0x1  }
0xa1: {  	s23 =	simm.s32 $0x1B8B  }
0xa2: {  	_ =	swait.ge [sflag:s23], $0x1  }
0xa3: {  	[sflag:s23] =	ssyncset.done $0x0  }
0xa4: {  	s25 =	simm.s32 $0x1B8E;
	s24 =	sld [smem:$0x3FFE];
	[sflag:s23] =	ssyncadd.s32 $0xFFFFFFFF  }
0xa5: {  	s26 =	simm.s32 $execute0_lowered;
	[smem:$0x3FD2] =	sst s25  }
0xa6: {  	s4 =	sshll.u32 s26, $0x1;
	_ =	strace $0x8000004C;
	[dreg:$0x1] =	wrdreg $0xFFFFFFFF  }
0xa7: {  	s28 =	simm.s32 $_size_execute0_lowered;
	s2 =	sadd.s32 s2, s4;
	[dreg:$0x0] =	wrdreg $0x0  }
0xa8: {  	s4 =	sshll.u32 s28, $0x1;
	[dreg:$0x2] =	wrdreg s2  }
0xa9: {  	[dreg:$0x3] =	wrdreg s4  }
0xaa: {  	[dreg:$0x4] =	wrdreg $0xC0  }
0xab: {  	_ =	task [dreg:s6], $0x5FFFF  }
0xac: {  	[dreg:$0x1] =	wrdreg $0xFFFFFFFF  }
0xad: {  	[dreg:$0x0] =	wrdreg $0x60  }
0xae: {  	[dreg:$0x2] =	wrdreg s24  }
0xaf: {  	[dreg:$0x3] =	wrdreg $0x0  }
0xb0: {  	[dreg:$0x4] =	wrdreg $0x9  }
0xb1: {  	_ =	task.clear_ibuf [dreg:s6], $0x5FFFF;
	_ =	strace $0x9000004C  }
0xb2: {  	s29 =	simm.s32 $0x9;
	_ =	strace $0x8000004E  }
0xb3: {  	_ =	swait.ge [sflag:s29], $0x1  }
0xb4: {  	[sflag:s29] =	ssyncadd.s32 $0xFFFFFFFF  }
0xb5: {  	_ =	strace $0x9000004E  }
0xb6: {  	_ =	sfence  }
0xb7: {  	s30 =	sld [smem:$0x0];
	_ =	sdelay $0x2  }
0xb8: {  	s31 =	sshll.u32 s1, $0xD;
	s1 =	sshrl.u32 s1, $0x2  }
0xb9: {  	s3 =	sand.u32 $0x4000, s31;
	s1 =	sadd.s32 s1, s30  }
0xba: {  	s0 =	sor.u32 s3, s0;
	s1 =	sshll.u32 s1, $0x11  }
0xbb: {  	s0 =	sor.u32 s1, s0  }
0xbc: {  	s0 =	sadd.s32 $0x8F2B, s0  }
0xbd: {  	[sflag:s0] =	ssyncadd.remote.s32 $0x1  }
0xbe: {  	_ =	sfence.sel $0xFFFF  }
0xbf: {  	[dreg:$0x0] =	wrdreg $0xFFFFFFFF;
	(pc) =	sbr.abs _section_cstart, $3  }
0xc0: {  	[dreg:$0x1] =	wrdreg $0xFFFFFFFF  }
0xc1: {  	_ =	task.clear_ibuf [dreg:s6], $0x2FFFF;
	_ =	strace $0x9FFFFFFF  }
0xc2: {  	(tm) =	ssettm $0x7FFFFFFF  }
0xc3: {  	_ =	shalt  }
tec
execute0_lowered:
.L_overlay_start_1:
0x0: {  	(tag) =	ssettag $0x1  }
0x1: {  	s8 =	rddreg [dreg:$0x0]  }
0x2: {  	s1 =	rddreg [dreg:$0x1];
	s0 =	simm.s32 $0x0  }
0x3: {  	s6 =	srdreg.scid;
	s16 =	simm.s32 $0x16980;
	s17 =	simm.s32 $0x17180  }
0x4: {  	s18 =	simm.s32 $0x17980;
	s19 =	simm.s32 $0x18180;
	[smem:$0x7FF] =	sst s0  }
0x5: {  	s2 =	stileid.u32;
	s4 =	sadd.s32 $0x4F9800, s8;
	s5 =	sadd.s32 $0x10FC00, s8  }
0x6: {  	s9 =	sand.u32 $0x1, s6;
	s6 =	sadd.s32 $0x2800, s8;
	s11 =	smul.u32 $0x5A000, s2  }
0x7: {  	s15 =	simm.s32 $0x3;
	s7 =	sadd.s32 $0x128C00, s8;
	s8 =	sadd.s32 $0x12BA00, s8  }
.Ltmp0:
0x8: {  	s30 =	sshll.u32 s2, $0x6;
	s10 =	ssub.s32 $0x2, s9;
	(pc) =	sbr.rel .LBB2_1-.Ltmp0, $4  }
0x9: {  	_ =	strace $0x8000004D;
	s9 =	smul.u32 $0x7, s9;
	s12 =	sshrl.u32 s10, $0x1  }
0xa: {  	v0 =	vmov s2;
	s11 =	sshrl.u32 s11, $0x2;
	s13 =	ssub.s32 s10, s12;
	s10 =	smul.u32 $0xF0, s2  }
0xb: {  	v0 =	vor.u32 $0xF00, v0;
	s14 =	sadd.s32 s11, s1;
	s11 =	sor.u32 $0x1C03, s30;
	s31 =	smax.u32 s13, $0x1  }
0xc: {  	v1 =	vimm.s32 $0x0;
	v2 =	vlaneseq.u32;
	v0 =	vbroadcast v0, $0x0;
	s12 =	smul.u32 $0xC800, s2;
	s14 =	sshrl.u32 s14, $0x3;
	[dreg:$0x4] =	wrdreg s31  }
.LBB2_13:
0xd: {  	s0 =	rddreg [dreg:$0x3]  }
0xe: {  	s2 =	rddreg [dreg:$0x4];
	s0 =	sadd.s32 $0x1, s0  }
0xf: {  	p0 =	sne.s32 s0, s2  }
.Ltmp1:
0x10: {  	_ = 	snop;
	(pc) =	sbr.rel @!p0 .LBB2_14-.Ltmp1, $1  }
0x11: {  	_ =	sdelay $0x3  }
.LBB2_1:
.Ltmp2:
0x12: {  	(pc) =	sbr.rel .LBB2_2-.Ltmp2, $2  }
0x13: {  	_ =	sdelay $0x2  }
0x14: {  	[dreg:$0x3] =	wrdreg s0;
	s20 =	simm.s32 $0x0  }
.LBB2_12:
0x15: {  	s0 =	sadd.s32 s10, s21  }
0x16: {  	s0 =	smul.u32 $0x30, s0  }
0x17: {  	s20 =	sadd.s32 $0x1, s20  }
0x18: {  	[bflag:$0x0] =	sbarrier.arrive $0xFFFF;
	p0 =	sne.s32 s20, $0x7;
	s0 =	sadd.s32 s8, s0  }
0x19: {  	[hbm:s0], [sflag:s11] =	dma.local [spmem:s14], $0x2D00  }
.Ltmp3:
0x1a: {  	_ =	swait.ge [sflag:s15], $0x2D00;
	(pc) =	sbr.rel @!p0 .LBB2_13-.Ltmp3, $3  }
0x1b: {  	[sflag:s15] =	ssyncset.done $0x0  }
0x1c: {  	[sflag:s15] =	ssyncadd.s32 $0xFFFFD300  }
0x1d: {  	[bflag:$0x0] =	sbarrier.arrive $0xFFFF;
	_ =	sdelay $0x1  }
.LBB2_2:
0x1e: {  	[spmem:s14], [sflag:s11] =	dma.local [hbm:s7], $0x2D00  }
.Ltmp4:
0x1f: {  	s21 =	sadd.s32 s9, s20;
	_ =	swait.ge [sflag:s15], $0x2D00;
	(pc) =	sbr.rel .LBB2_3-.Ltmp4, $4  }
0x20: {  	s21 =	smul.u32 $0xF00, s21;
	[sflag:s15] =	ssyncset.done $0x0  }
0x21: {  	[sflag:s15] =	ssyncadd.s32 $0xFFFFD300  }
0x22: {  	s22 =	sadd.s32 $0xF00, s21;
	[bflag:$0x0] =	sbarrier.arrive $0xFFFF  }
0x23: {  	s23 =	simm.s32 $0x0;
	v3 =	vmov s21;
	v4 =	vmov s22;
	s22 =	simm.s32 $0x0  }
.LBB2_7:
0x24: {  	_ = 	snop  }
.LBB2_10:
0x25: {  	[sflag:s30] =	ssyncset.done @p1 $0x0  }
0x26: {  	s0 =	simm.s32 @p0 $0x1;
	[sflag:s30] =	ssyncadd.s32 @p1 $0xFFFFD000  }
0x27: {  	_ =	swait.ge @p0 [sflag:s0], $0x3000  }
0x28: {  	[sflag:s0] =	ssyncset.done @p0 $0x0  }
0x29: {  	s2 =	simm.s32 @p0 $0x20;
	s3 =	simm.s32 @p0 $0x18980;
	[sflag:s0] =	ssyncadd.s32 @p0 $0xFFFFD000  }
0x2a: {  	[spmem:s1] =	stream.indirect.scatter.add.f32 @p0 [tilespmem:s3], [sflag:$0x4], $0x180, s25, s2, $0xb8;
	[tilespmem:$0x1E980] =	vst v63  }
0x2b: {  	s0 =	simm.s32 @!p0 $0x20;
	s2 =	simm.s32 @!p0 $0x1B980;
	s3 =	simm.s32 @!p0 $0x1  }
0x2c: {  	[tilespmem:s2], [sflag:$0x2] =	stream.indirect.gather @!p0 [hbm4b:s4+s0], $0x180, s26, s0, $0xb8;
	[tilespmem:$0x1E980] =	vst v63  }
0x2d: {  	_ =	swait.ge @!p0 [sflag:s3], $0x3000  }
0x2e: {  	s13 =	sadd.s32 @!p0 $0x1, s28;
	s28 =	simm.s32 @!p0 $0x18980;
	[sflag:s3] =	ssyncset.done @!p0 $0x0  }
0x2f: {  	s29 =	simm.s32 @!p0 $0x4;
	p1 =	sge.s32 @!p0 s13, s24;
	[sflag:s3] =	ssyncadd.s32 @!p0 $0xFFFFD000  }
0x30: {  	[spmem:s1] =	stream.indirect.scatter.add.f32 @!p0 [tilespmem:s28], [sflag:$0x4], $0x180, s25, s0, $0xb8;
	[tilespmem:$0x1E980] =	vst v63  }
0x31: {  	p1 =	por p1, p0;
	_ =	swait.ge @!p0 [sflag:s29], $0x3000  }
0x32: {  	s13 =	simm.s32 @!p1 $0x20;
	s24 =	simm.s32 @!p1 $0x18980;
	[sflag:s29] =	ssyncset.done @!p0 $0x0  }
0x33: {  	s3 =	sadd.s32 @!p1 $0x20, s26;
	s26 =	simm.s32 @!p0 $0x2;
	[sflag:s29] =	ssyncadd.s32 @!p0 $0xFFFFD000  }
0x34: {  	[tilespmem:s24], [sflag:$0x1] =	stream.indirect.gather @!p1 [hbm4b:s4+s13], $0x180, s3, s13, $0xb8;
	[tilespmem:$0x1E980] =	vst v63  }
0x35: {  	_ =	swait.ge @!p0 [sflag:s26], $0x3000  }
0x36: {  	s3 =	simm.s32 @!p0 $0x3;
	[sflag:s26] =	ssyncset.done @!p0 $0x0  }
0x37: {  	s13 =	sadd.s32 @!p0 $0x20, s25;
	s3 =	simm.s32 @p0 $0x4;
	[sflag:s26] =	ssyncadd.s32 @!p0 $0xFFFFD000  }
0x38: {  	[spmem:s1] =	stream.indirect.scatter.add.f32 @!p0 [tilespmem:s2], [sflag:$0x3], $0x180, s13, s0, $0xb8;
	[tilespmem:$0x1E980] =	vst v63  }
0x39: {  	_ =	swait.ge [sflag:s3], $0x3000  }
0x3a: {  	[sflag:s3] =	ssyncset.done $0x0  }
0x3b: {  	[sflag:s3] =	ssyncadd.s32 $0xFFFFD000  }
.LBB2_11:
0x3c: {  	s23 =	sadd.s32 $0x1, s23  }
0x3d: {  	p0 =	sne.s32 s23, $0x19  }
.Ltmp5:
0x3e: {  	_ = 	snop;
	(pc) =	sbr.rel @!p0 .LBB2_12-.Ltmp5, $1  }
0x3f: {  	_ =	sdelay $0x3  }
.LBB2_3:
0x40: {  	s24 =	sshll.u32 s23, $0xB  }
0x41: {  	s24 =	sadd.s32 s12, s24  }
0x42: {  	s24 =	sshrl.u32 s24, $0x3  }
0x43: {  	s25 =	sadd.s32 s5, s24  }
0x44: {  	[tilespmem:s16], [sflag:$0x3] =	stream.linear.gather [hbm4b:s25+s22], $0x800, $0x38;
	[tilespmem:$0x1E980] =	vst v63  }
0x45: {  	_ =	swait.ge [sflag:s15], $0x800  }
0x46: {  	[sflag:s15] =	ssyncset.done $0x0  }
0x47: {  	s24 =	sadd.s32 s6, s24;
	[sflag:s15] =	ssyncadd.s32 $0xFFFFF800  }
0x48: {  	[tilespmem:s17], [sflag:$0x3] =	stream.linear.gather [hbm4b:s24+s22], $0x800, $0x38;
	[tilespmem:$0x1E980] =	vst v63  }
0x49: {  	_ =	swait.ge [sflag:s15], $0x800  }
0x4a: {  	[sflag:s15] =	ssyncset.done $0x0  }
0x4b: {  	s26 =	simm.s32 $0x0;
	[sflag:s15] =	ssyncadd.s32 $0xFFFFF800  }
0x4c: {  	v5 =	vld [tilespmem:s26+$0x17180];
	_ =	sdelay $0x4  }
0x4d: {  	vm0 =	vge.s32 v5, v3;
	vm1 =	vlt.s32 v5, v4  }
0x4e: {  	vm0 =	vmand vm0, vm1  }
0x4f: {  	v6 =	vsel vm0, $0x1, v1  }
0x50: {  	(xrf0) =	vadd.scan.msk.s32 $0xffff, v6;
	_ =	sdelay $0x4  }
0x51: {  	s28 =	simm.s32 $0x80;
	s25 =	simm.s32 $0x40;
	s24 =	simm.s32 $0x0  }
.LBB2_4:
0x52: {  	p0 =	sne.s32 s28, $0x1FC0;
	v7, _, _ =	vpop (xrf0)  }
0x53: {  	v6 =	vsub.s32 v7, v6;
	(v2sf) =	vpush v7, $0xF  }
0x54: {  	v7 =	vld [tilespmem:s26+$0x16980];
	v6 =	vadd.s32 s24, v6;
	_ =	sdelay $0x4  }
0x55: {  	v5 =	vsub.s32 v5, v3;
	[tilespmem:v6+s18+$0x0] =	vst.idx.msk vm0, v7  }
0x56: {  	s26 =	sshra.s32 s25, $0x2;
	s25 =	smov.u32 s28;
	[tilespmem:v6+s19+$0x0] =	vst.idx.msk vm0, v5  }
0x57: {  	v5 =	vld [tilespmem:s26+$0x17180];
	_ =	sdelay $0x4  }
0x58: {  	vm0 =	vge.s32 v5, v3;
	vm1 =	vlt.s32 v5, v4  }
0x59: {  	vm0 =	vmand vm0, vm1  }
0x5a: {  	v6 =	vsel vm0, $0x1, v1;
	s29 =	spop (v2sf)  }
0x5b: {  	(xrf0) =	vadd.scan.msk.s32 $0xffff, v6;
	s24 =	sadd.s32 s24, s29  }
.Ltmp6:
0x5c: {  	(pc) =	sbr.rel @p0 .LBB2_4-.Ltmp6, $2  }
0x5d: {  	_ =	sdelay $0x2  }
0x5e: {  	s28 =	sadd.s32 $0x40, s28  }
0x5f: {  	v7, _, _ =	vpop (xrf0)  }
0x60: {  	v6 =	vsub.s32 v7, v6  }
0x61: {  	v8 =	vld [tilespmem:s26+$0x16980];
	v6 =	vadd.s32 s24, v6;
	_ =	sdelay $0x4  }
0x62: {  	v5 =	vsub.s32 v5, v3;
	[tilespmem:v6+s18+$0x0] =	vst.idx.msk vm0, v8  }
0x63: {  	s25 =	sshra.s32 s25, $0x2;
	[tilespmem:v6+s19+$0x0] =	vst.idx.msk vm0, v5  }
0x64: {  	v5 =	vld [tilespmem:s25+$0x17180];
	_ =	sdelay $0x4  }
0x65: {  	vm14 =	vge.s32 v5, v3;
	vm1 =	vlt.s32 v5, v4  }
0x66: {  	vm0 =	vmand vm14, vm1  }
0x67: {  	v6 =	vsel vm0, $0x1, v1  }
0x68: {  	(xrf0) =	vadd.scan.msk.s32 $0xffff, v6;
	_ =	sdelay $0x5  }
0x69: {  	(v2sf) =	vpush v7, $0xF;
	v7, _, _ =	vpop (xrf0)  }
0x6a: {  	(v2sf) =	vpush v7, $0xF;
	_ =	sdelay $0xd  }
0x6b: {  	s3 =	spop (v2sf)  }
0x6c: {  	s13 =	sadd.s32 s24, s3;
	s28 =	spop (v2sf)  }
0x6d: {  	s26 =	sadd.s32 s13, s28  }
0x6e: {  	v6 =	vsub.s32 v7, v6;
	s28 =	sadd.s32 $0x1F, s26  }
0x6f: {  	v7 =	vld [tilespmem:s25+$0x16980];
	v6 =	vadd.s32 s13, v6;
	v63 =	vadd.s32 s26, v2;
	s29 =	sand.u32 $0xFFFFFFE0, s28  }
0x70: {  	s30 =	sadd.s32 $0x10, s26;
	vm15 =	vlt.s32 v63, s29  }
0x71: {  	v9 =	vadd.s32 s30, v2  }
0x72: {  	vm2 =	vlt.s32 v9, s29;
	_ =	sdelay $0x1  }
0x73: {  	v5 =	vsub.s32 v5, v3;
	[tilespmem:v6+s18+$0x0] =	vst.idx.msk vm0, v7  }
0x74: {  	[tilespmem:v6+s19+$0x0] =	vst.idx.msk vm0, v5  }
0x75: {  	[tilespmem:v63+s18+$0x0] =	vst.idx.msk vm15, v1  }
0x76: {  	s24 =	sshra.s32 s28, $0x5;
	[tilespmem:v63+s19+$0x0] =	vst.idx.msk vm15, v0  }
0x77: {  	p0 =	slt.s32 s24, $0x1;
	s31 =	sadd.s32 $0x1, s24;
	[tilespmem:v9+s18+$0x0] =	vst.idx.msk vm2, v1  }
0x78: {  	s25 =	simm.s32 @!p0 $0x20;
	s26 =	simm.s32 @!p0 $0x17980;
	s28 =	simm.s32 @!p0 $0x18980;
	[tilespmem:v9+s19+$0x0] =	vst.idx.msk vm2, v0  }
0x79: {  	[tilespmem:s28], [sflag:$0x1] =	stream.indirect.gather @!p0 [hbm4b:s4+s25], $0x180, s26, s25, $0xb8;
	[tilespmem:$0x1E980] =	vst v63  }
0x7a: {  	s25 =	sshra.s32 s31, $0x1  }
0x7b: {  	p0 =	slt.s32 s25, $0x1  }
.Ltmp7:
0x7c: {  	_ = 	snop;
	(pc) =	sbr.rel @p0 .LBB2_11-.Ltmp7, $1  }
0x7d: {  	_ =	sdelay $0x3  }
0x7e: {  	s29 =	sadd.s32 $0xFFFFFFFF, s25  }
0x7f: {  	p2 =	sne.s32 s29, $0x0  }
.Ltmp8:
0x80: {  	_ = 	snop;
	(pc) =	sbr.rel @!p2 .LBB2_7-.Ltmp8, $3  }
0x81: {  	_ =	sdelay $0x1  }
0x82: {  	s25 =	simm.s32 $0x18180;
	s26 =	simm.s32 $0x179A0  }
0x83: {  	s28 =	simm.s32 $0x1;
	p0 =	sle.s32 s24, $0x1;
	p1 =	por $0x0, $0x0  }
0x84: {  	s28 =	simm.s32 @p0 $0x1  }
0x85: {  	_ =	swait.ge @p0 [sflag:s28], $0x3000  }
0x86: {  	[sflag:s28] =	ssyncset.done @p0 $0x0  }
0x87: {  	s30 =	simm.s32 @p0 $0x20;
	s31 =	simm.s32 @p0 $0x18980;
	[sflag:s28] =	ssyncadd.s32 @p0 $0xFFFFD000  }
0x88: {  	[spmem:s1] =	stream.indirect.scatter.add.f32 @p0 [tilespmem:s31], [sflag:$0x4], $0x180, s25, s30, $0xb8;
	[tilespmem:$0x1E980] =	vst v63  }
0x89: {  	s28 =	simm.s32 @!p0 $0x20;
	s31 =	simm.s32 @!p0 $0x1B980;
	s30 =	simm.s32 @!p0 $0x1  }
0x8a: {  	[tilespmem:s31], [sflag:$0x2] =	stream.indirect.gather @!p0 [hbm4b:s4+s28], $0x180, s26, s28, $0xb8;
	[tilespmem:$0x1E980] =	vst v63  }
0x8b: {  	s0 =	simm.s32 @!p0 $0x4;
	_ =	swait.ge @!p0 [sflag:s30], $0x3000  }
0x8c: {  	p1 =	sle.s32 @!p0 s24, $0x2;
	s3 =	simm.s32 @!p0 $0x2;
	[sflag:s30] =	ssyncset.done @!p0 $0x0  }
0x8d: {  	s29 =	sadd.s32 $0xFFFFFFFF, s29;
	s26 =	simm.s32 @!p0 $0x18980;
	[sflag:s30] =	ssyncadd.s32 @!p0 $0xFFFFD000  }
0x8e: {  	[spmem:s1] =	stream.indirect.scatter.add.f32 @!p0 [tilespmem:s26], [sflag:$0x4], $0x180, s25, s28, $0xb8;
	[tilespmem:$0x1E980] =	vst v63  }
0x8f: {  	p1 =	por p1, p0;
	p2 =	sne.s32 s29, $0x0;
	_ =	swait.ge @!p0 [sflag:s0], $0x3000  }
0x90: {  	s30 =	simm.s32 @!p0 $0x3;
	s25 =	simm.s32 @!p1 $0x179C0;
	[sflag:s0] =	ssyncset.done @!p0 $0x0  }
0x91: {  	s26 =	simm.s32 @!p1 $0x20;
	[sflag:s0] =	ssyncadd.s32 @!p0 $0xFFFFD000;
	s0 =	simm.s32 @!p1 $0x18980  }
0x92: {  	[tilespmem:s0], [sflag:$0x1] =	stream.indirect.gather @!p1 [hbm4b:s4+s26], $0x180, s25, s26, $0xb8;
	[tilespmem:$0x1E980] =	vst v63  }
.Ltmp9:
0x93: {  	s30 =	simm.s32 @p0 $0x4;
	_ =	swait.ge @!p0 [sflag:s3], $0x3000;
	(pc) =	sbr.rel @!p2 .LBB2_10-.Ltmp9, $4  }
0x94: {  	s0 =	simm.s32 @!p0 $0x181A0;
	s26 =	simm.s32 $0x179E0;
	[sflag:s3] =	ssyncset.done @!p0 $0x0  }
0x95: {  	s25 =	simm.s32 $0x181C0;
	p1 =	por $0x1, $0x1;
	[sflag:s3] =	ssyncadd.s32 @!p0 $0xFFFFD000  }
0x96: {  	[spmem:s1] =	stream.indirect.scatter.add.f32 @!p0 [tilespmem:s31], [sflag:$0x3], $0x180, s0, s28, $0xb8;
	[tilespmem:$0x1E980] =	vst v63  }
0x97: {  	s28 =	simm.s32 $0x3;
	p0 =	sle.s32 s24, $0x3;
	_ =	swait.ge [sflag:s30], $0x3000  }
.LBB2_9:
0x98: {  	s29 =	sadd.s32 $0xFFFFFFFF, s29;
	s0 =	simm.s32 @p0 $0x1;
	[sflag:s30] =	ssyncset.done $0x0  }
0x99: {  	p2 =	sne.s32 s29, $0x0;
	[sflag:s30] =	ssyncadd.s32 $0xFFFFD000  }
0x9a: {  	_ =	swait.ge @p0 [sflag:s0], $0x3000  }
0x9b: {  	s3 =	simm.s32 @p0 $0x20;
	s30 =	simm.s32 @p0 $0x18980;
	[sflag:s0] =	ssyncset.done @p0 $0x0  }
0x9c: {  	[sflag:s0] =	ssyncadd.s32 @p0 $0xFFFFD000  }
0x9d: {  	[spmem:s1] =	stream.indirect.scatter.add.f32 @p0 [tilespmem:s30], [sflag:$0x4], $0x180, s25, s3, $0xb8;
	[tilespmem:$0x1E980] =	vst v63  }
0x9e: {  	s0 =	simm.s32 @!p0 $0x20;
	s3 =	simm.s32 @!p0 $0x1B980;
	s30 =	simm.s32 @!p0 $0x1  }
0x9f: {  	[tilespmem:s3], [sflag:$0x2] =	stream.indirect.gather @!p0 [hbm4b:s4+s0], $0x180, s26, s0, $0xb8;
	[tilespmem:$0x1E980] =	vst v63  }
0xa0: {  	s31 =	sadd.s32 @!p0 $0x1, s28;
	_ =	swait.ge @!p0 [sflag:s30], $0x3000  }
0xa1: {  	s13 =	simm.s32 @!p0 $0x18980;
	s2 =	simm.s32 @!p0 $0x4;
	[sflag:s30] =	ssyncset.done @!p0 $0x0  }
0xa2: {  	p3 =	sge.s32 @!p0 s31, s24;
	[sflag:s30] =	ssyncadd.s32 @!p0 $0xFFFFD000  }
0xa3: {  	[spmem:s1] =	stream.indirect.scatter.add.f32 @!p0 [tilespmem:s13], [sflag:$0x4], $0x180, s25, s0, $0xb8;
	[tilespmem:$0x1E980] =	vst v63  }
0xa4: {  	p3 =	por p3, p0;
	_ =	swait.ge @!p0 [sflag:s2], $0x3000  }
0xa5: {  	s30 =	simm.s32 @!p3 $0x20;
	s13 =	sadd.s32 @!p3 $0x20, s26;
	[sflag:s2] =	ssyncset.done @!p0 $0x0  }
0xa6: {  	s31 =	simm.s32 @!p0 $0x2;
	[sflag:s2] =	ssyncadd.s32 @!p0 $0xFFFFD000;
	s2 =	simm.s32 @!p3 $0x18980  }
0xa7: {  	[tilespmem:s2], [sflag:$0x1] =	stream.indirect.gather @!p3 [hbm4b:s4+s30], $0x180, s13, s30, $0xb8;
	[tilespmem:$0x1E980] =	vst v63  }
.Ltmp10:
0xa8: {  	s26 =	sadd.s32 $0x40, s26;
	_ =	swait.ge @!p0 [sflag:s31], $0x3000;
	(pc) =	sbr.rel @p2 .LBB2_9-.Ltmp10, $4  }
0xa9: {  	s2 =	sadd.s32 @!p0 $0x20, s25;
	s30 =	simm.s32 @!p0 $0x3;
	[sflag:s31] =	ssyncset.done @!p0 $0x0  }
0xaa: {  	s28 =	sadd.s32 $0x2, s28;
	s30 =	simm.s32 @p0 $0x4;
	[sflag:s31] =	ssyncadd.s32 @!p0 $0xFFFFD000  }
0xab: {  	[spmem:s1] =	stream.indirect.scatter.add.f32 @!p0 [tilespmem:s3], [sflag:$0x3], $0x180, s2, s0, $0xb8;
	[tilespmem:$0x1E980] =	vst v63  }
0xac: {  	s25 =	sadd.s32 $0x40, s25;
	p0 =	sge.s32 s28, s24;
	_ =	swait.ge [sflag:s30], $0x3000  }
.Ltmp11:
0xad: {  	_ = 	snop;
	(pc) =	sbr.rel .LBB2_10-.Ltmp11, $1  }
0xae: {  	_ =	sdelay $0x3  }
.LBB2_14:
0xaf: {  	_ =	sfence.sel $0x180000  }
0xb0: {  	[bflag:$0x0] =	sbarrier.arrive $0xFFFF  }
0xb1: {  	_ =	strace $0x9000004D  }
0xb2: {  	s0 =	stileid.u32;
	[bflag:$0x2] =	sbarrier.arrive $0xFFFF  }
0xb3: {  	p0 =	sne.s32 s0, $0x0;
	s0 =	rddreg [dreg:$0x2]  }
0xb4: {  	s0 =	sadd.s32 @!p0 $0x100000, s0  }
0xb5: {  	[sflag:s0] =	ssyncadd.tile.s32 @!p0 $0x1;
	_ =	shalt  }
.Lfunc_end2:
_tile_overlayer_lowered:
.L_overlay_start_2:
0xb6: {  	(tag) =	ssettag $0x2  }
0xb7: {  	s0 =	rddreg [dreg:$0x0];
	s2 =	stileid.u32  }
0xb8: {  	s1 =	rddreg [dreg:$0x1];
	p0 =	sne.s32 s2, $0x0  }
0xb9: {  	s3 =	rddreg [dreg:$0x2];
	[bflag:$0x3] =	sbarrier.arrive $0xFFFF;
	s2 =	simm.s32 @!p0 $0x1C03  }
0xba: {  	[timem:s3], [sflag:s2] =	dma.local @!p0 [hbm:s0], s1  }
0xbb: {  	s0 =	simm.s32 @!p0 $0x3  }
0xbc: {  	_ =	swait.ge @!p0 [sflag:s0], s1  }
0xbd: {  	s1 =	ssub.s32 @!p0 $0x0, s1;
	[sflag:s0] =	ssyncset.done @!p0 $0x0  }
0xbe: {  	[sflag:s0] =	ssyncadd.s32 @!p0 s1  }
0xbf: {  	[bflag:$0x3] =	sbarrier.arrive $0xFFFF  }
0xc0: {  	_ =	shalt  }

// kernel: kernel.8.cloned.1.call-start
scs
__scs_entry_jumppad:
0x0: {  	(pc) =	sbr.rel $0x88, $3  }
0x1: {  	(tag) =	ssettag $0x0;
	lr =	simm.s32 $0x1  }
0x2: {  	[smem:$0x3F96] =	sst lr;
	_ =	strace $0xD0000000  }
0x3: {  	_ = 	snop  }
0x4: {  	_ = 	snop  }
0x5: {  	_ = 	snop  }
0x6: {  	_ = 	snop  }
0x7: {  	_ = 	snop  }
__scs_overlays_trampoline_lowered:
0x8: {  	[smem:$0x3FA5] =	sst s0  }
0x9: {  	[smem:$0x3FA6] =	sst s1  }
0xa: {  	[smem:$0x3FA7] =	sst s2  }
0xb: {  	[smem:$0x3FA8] =	sst s3  }
0xc: {  	[smem:$0x3FA9] =	sst s4  }
0xd: {  	[smem:$0x3FAA] =	sst s5  }
0xe: {  	[smem:$0x3FAB] =	sst s6  }
0xf: {  	[smem:$0x3FAC] =	sst s7  }
0x10: {  	[smem:$0x3FAD] =	sst s8  }
0x11: {  	[smem:$0x3FAE] =	sst s9;
	s0 =	simm.s32 @!p0 $0x0  }
0x12: {  	s1 =	sld [smem:$0x3F94];
	s0 =	simm.s32 @p0 $0x1  }
0x13: {  	[smem:$0x3FAF] =	sst s0;
	s0 =	simm.s32 @!p1 $0x0  }
0x14: {  	s2 =	sld [smem:$0x3F93];
	s0 =	simm.s32 @p1 $0x1  }
0x15: {  	[smem:$0x3FB0] =	sst s0;
	s0 =	simm.s32 @!p2 $0x0  }
0x16: {  	s3 =	sld [smem:$0x3FDB];
	s0 =	simm.s32 @p2 $0x1  }
0x17: {  	s4 =	simm.s32 $0x1BF5;
	[smem:$0x3FB2] =	sst s0  }
0x18: {  	s0 =	sld [smem:$0x3F95];
	_ =	swait.ge [sflag:s4], $0x0  }
0x19: {  	s7 =	sld [smem:$0x3F96]  }
0x1a: {  	s8 =	sadd.s32 $0xFFFFE003, lr  }
0x1b: {  	s9 =	sadd.s32 $0xFFFFFEF7, lr;
	s5 =	simm.s32 $0xFFFFFFFF;
	p2 =	slt.u32 s8, $0xFFFFF086  }
0x1c: {  	p1 =	slt.u32 s9, $0xF7A;
	s5 =	simm.s32 @!p2 $0x0  }
0x1d: {  	s5 =	simm.s32 @p1 $0x1;
	p0 =	seq.s32 s7, s2  }
0x1e: {  	s7 =	smul.u32 @!p0 $0xF7A, s2;
	p2 =	seq.s32 @!p0 s5, $0x0  }
0x1f: {  	s9 =	smul.u32 $0xF7A, s1;
	s8 =	simm.s32 @!p0 $0x1BF5;
	p2 =	por !p2, p0  }
0x20: {  	[sflag:s8] =	ssyncset.s32 @!p0 $0xFFFFF086;
	s6 =	sadd.s32 @!p0 s3, s7;
	s7 =	simm.s32 @!p0 $0x108  }
0x21: {  	s3 =	sadd.s32 s3, s9;
	s6 =	sadd.s32 @!p0 $0x88, s6;
	s7 =	simm.s32 @p2 $0x1082  }
0x22: {  	[simem:s7], [sflag:s8] =	dma.local @!p0 [hbm:s6], $0xF7A  }
0x23: {  	s9 =	sor.u32 $0xD0000000, s2;
	s6 =	simm.s32 $0x108;
	_ =	swait.ge @!p0 [sflag:s8], $0x0  }
0x24: {  	s3 =	sadd.s32 $0x88, s3;
	s6 =	simm.s32 @!p1 $0x1082;
	[sflag:s4] =	ssyncset.s32 $0xFFFFF086  }
0x25: {  	[simem:s6], [sflag:s4] =	dma.local [hbm:s3], $0xF7A  }
0x26: {  	[smem:$0x3F96] =	sst s1;
	(tag) =	ssettag s2;
	_ =	strace s9  }
0x27: {  	s1 =	sld [smem:$0x3FA6]  }
0x28: {  	s2 =	sld [smem:$0x3FA7]  }
0x29: {  	s4 =	sld [smem:$0x3FA9]  }
0x2a: {  	p0 =	seq.s32 s5, $0x0;
	s5 =	sld [smem:$0x3FAA]  }
0x2b: {  	s6 =	sld [smem:$0x3FAB]  }
0x2c: {  	s7 =	sld [smem:$0x3FAC]  }
0x2d: {  	s3 =	simm.s32 $0x108;
	s8 =	sld [smem:$0x3FAD]  }
0x2e: {  	s3 =	simm.s32 @!p0 $0x1082;
	s9 =	sld [smem:$0x3FAE]  }
0x2f: {  	lr =	sadd.s32 s0, s3;
	s0 =	sld [smem:$0x3FA5]  }
0x30: {  	s3 =	sld [smem:$0x3FA8]  }
0x31: {  	[smem:$0x3FB1] =	sst s10  }
0x32: {  	s10 =	sld [smem:$0x3FAF];
	_ =	sdelay $0x3  }
0x33: {  	p0 =	seq.s32 s10, $0x1;
	s10 =	sld [smem:$0x3FB1];
	_ =	sdelay $0x3  }
0x34: {  	[smem:$0x3FB1] =	sst s10  }
0x35: {  	s10 =	sld [smem:$0x3FB0];
	_ =	sdelay $0x3  }
0x36: {  	p1 =	seq.s32 s10, $0x1;
	s10 =	sld [smem:$0x3FB1];
	_ =	sdelay $0x3  }
0x37: {  	[smem:$0x3FB1] =	sst s10  }
0x38: {  	s10 =	sld [smem:$0x3FB2]  }
0x39: {  	_ = 	snop;
	(pc) =	sbr.ind lr, $3  }
0x3a: {  	_ = 	snop  }
0x3b: {  	_ = 	snop  }
0x3c: {  	p2 =	seq.s32 s10, $0x1;
	s10 =	sld [smem:$0x3FB1]  }
0x3d: {  	_ =	shalt  }
0x3e: {  	_ =	shalt  }
0x3f: {  	_ =	shalt  }
0x40: {  	_ =	shalt  }
0x41: {  	_ =	shalt  }
0x42: {  	_ =	shalt  }
0x43: {  	_ =	shalt  }
0x44: {  	_ =	shalt  }
0x45: {  	_ =	shalt  }
0x46: {  	_ =	shalt  }
0x47: {  	_ =	shalt  }
0x48: {  	_ =	shalt  }
0x49: {  	_ =	shalt  }
0x4a: {  	_ =	shalt  }
0x4b: {  	_ =	shalt  }
0x4c: {  	_ =	shalt  }
0x4d: {  	_ =	shalt  }
0x4e: {  	_ =	shalt  }
0x4f: {  	_ =	shalt  }
0x50: {  	_ =	shalt  }
0x51: {  	_ =	shalt  }
0x52: {  	_ =	shalt  }
0x53: {  	_ =	shalt  }
0x54: {  	_ =	shalt  }
0x55: {  	_ =	shalt  }
0x56: {  	_ =	shalt  }
0x57: {  	_ =	shalt  }
0x58: {  	_ =	shalt  }
0x59: {  	_ =	shalt  }
0x5a: {  	_ =	shalt  }
0x5b: {  	_ =	shalt  }
0x5c: {  	_ =	shalt  }
0x5d: {  	_ =	shalt  }
0x5e: {  	_ =	shalt  }
0x5f: {  	_ =	shalt  }
0x60: {  	_ =	shalt  }
0x61: {  	_ =	shalt  }
0x62: {  	_ =	shalt  }
0x63: {  	_ =	shalt  }
0x64: {  	_ =	shalt  }
0x65: {  	_ =	shalt  }
0x66: {  	_ =	shalt  }
0x67: {  	_ =	shalt  }
0x68: {  	_ =	shalt  }
0x69: {  	_ =	shalt  }
0x6a: {  	_ =	shalt  }
0x6b: {  	_ =	shalt  }
0x6c: {  	_ =	shalt  }
0x6d: {  	_ =	shalt  }
0x6e: {  	_ =	shalt  }
0x6f: {  	_ =	shalt  }
0x70: {  	_ =	shalt  }
0x71: {  	_ =	shalt  }
0x72: {  	_ =	shalt  }
0x73: {  	_ =	shalt  }
0x74: {  	_ =	shalt  }
0x75: {  	_ =	shalt  }
0x76: {  	_ =	shalt  }
0x77: {  	_ =	shalt  }
0x78: {  	_ =	shalt  }
0x79: {  	_ =	shalt  }
0x7a: {  	_ =	shalt  }
0x7b: {  	_ =	shalt  }
0x7c: {  	_ =	shalt  }
0x7d: {  	_ =	shalt  }
0x7e: {  	_ =	shalt  }
0x7f: {  	_ =	shalt  }
0x80: {  	_ =	shalt  }
0x81: {  	_ =	shalt  }
0x82: {  	_ =	shalt  }
0x83: {  	_ =	shalt  }
0x84: {  	_ =	shalt  }
0x85: {  	_ =	shalt  }
0x86: {  	_ =	shalt  }
0x87: {  	_ =	shalt  }
.Lfunc_end0:
.L_simem_size_0:
called_computation_lowered:
.L_overlay_start_0:
0x88: {  	s2 =	sld [smem:$0x3FD9]  }
0x89: {  	s3 =	sld [smem:$0x3FFE];
	_ =	sdelay $0x1  }
0x8a: {  	s1 =	srdreg.scid  }
0x8b: {  	s0 =	sand.u32 $0x1, s1  }
0x8c: {  	s17 =	sshll.u32 s0, $0xA;
	s2 =	sadd.s32 s3, s2  }
0x8d: {  	s2 =	sadd.s32 s2, s17  }
0x8e: {  	[smem:$0x3FBD] =	sst s2  }
0x8f: {  	_ = 	snop  }
0x90: {  	s2 =	sld [smem:$0x3FD0];
	(tm) =	ssettm $0x1  }
0x91: {  	s18 =	sld [smem:$0x3FFB];
	_ =	sdelay $0x3  }
0x92: {  	_ =	strace s18  }
0x93: {  	s3 =	sld [smem:$0x3FFC];
	_ =	sdelay $0x3  }
0x94: {  	_ =	strace s3  }
0x95: {  	s3 =	sld [smem:$0x3FFD];
	_ =	sdelay $0x3  }
0x96: {  	_ =	strace s3  }
0x97: {  	_ =	strace $0x8FFFFFFF  }
0x98: {  	s19 =	sld [smem:$0x3FDB];
	_ =	sdelay $0x1  }
0x99: {  	s4 =	simm.s32 $_scs_section_size  }
0x9a: {  	s5 =	simm.s32 $_size__tile_overlayer_lowered;
	s6 =	simm.s32 $_tile_overlayer_lowered  }
0x9b: {  	s22 =	simm.s32 $0x1BFF;
	s21 =	sshll.u32 s6, $0x1;
	s3 =	sadd.s32 s4, s19  }
0x9c: {  	s7 =	simm.s32 $0x0;
	s20 =	sshll.u32 s5, $0x1;
	s5 =	sadd.s32 s21, s3  }
0x9d: {  	[timem:s7], [sflag:s22] =	dma.local [hbm:s5], s20  }
0x9e: {  	_ =	swait.ge [sflag:s22], s20  }
0x9f: {  	s4 =	ssub.s32 $0x0, s20;
	[sflag:s22] =	ssyncset.done $0x0  }
0xa0: {  	[sflag:s22] =	ssyncadd.s32 s4;
	_ =	sdelay $0x1  }
0xa1: {  	s23 =	simm.s32 $0x1B8B  }
0xa2: {  	_ =	swait.ge [sflag:s23], $0x1  }
0xa3: {  	[sflag:s23] =	ssyncset.done $0x0  }
0xa4: {  	s25 =	simm.s32 $0x1B8E;
	s24 =	sld [smem:$0x3FFE];
	[sflag:s23] =	ssyncadd.s32 $0xFFFFFFFF  }
0xa5: {  	s26 =	simm.s32 $execute0_lowered;
	[smem:$0x3FD2] =	sst s25  }
0xa6: {  	s5 =	sshll.u32 s26, $0x1;
	_ =	strace $0x80000046;
	[dreg:$0x1] =	wrdreg $0xFFFFFFFF  }
0xa7: {  	s28 =	simm.s32 $_size_execute0_lowered;
	s3 =	sadd.s32 s3, s5;
	[dreg:$0x0] =	wrdreg $0x0  }
0xa8: {  	s5 =	sshll.u32 s28, $0x1;
	[dreg:$0x2] =	wrdreg s3  }
0xa9: {  	[dreg:$0x3] =	wrdreg s5  }
0xaa: {  	[dreg:$0x4] =	wrdreg $0xC0  }
0xab: {  	_ =	task [dreg:s7], $0x5FFFF  }
0xac: {  	[dreg:$0x1] =	wrdreg $0xFFFFFFFF  }
0xad: {  	[dreg:$0x0] =	wrdreg $0x60  }
0xae: {  	[dreg:$0x2] =	wrdreg s24  }
0xaf: {  	[dreg:$0x3] =	wrdreg s2  }
0xb0: {  	[dreg:$0x4] =	wrdreg $0x9  }
0xb1: {  	_ =	task.clear_ibuf [dreg:s7], $0x5FFFF;
	_ =	strace $0x90000046  }
0xb2: {  	s29 =	simm.s32 $0x9;
	_ =	strace $0x80000048  }
0xb3: {  	_ =	swait.ge [sflag:s29], $0x1  }
0xb4: {  	[sflag:s29] =	ssyncadd.s32 $0xFFFFFFFF  }
0xb5: {  	_ =	strace $0x90000048  }
0xb6: {  	_ =	sfence  }
0xb7: {  	s30 =	sld [smem:$0x0];
	_ =	sdelay $0x2  }
0xb8: {  	s31 =	sshll.u32 s1, $0xD;
	s1 =	sshrl.u32 s1, $0x2  }
0xb9: {  	s3 =	sand.u32 $0x4000, s31;
	s1 =	sadd.s32 s1, s30  }
0xba: {  	s0 =	sor.u32 s3, s0;
	s1 =	sshll.u32 s1, $0x11  }
0xbb: {  	s0 =	sor.u32 s1, s0  }
0xbc: {  	s0 =	sadd.s32 $0x8F2B, s0  }
0xbd: {  	[sflag:s0] =	ssyncadd.remote.s32 $0x1  }
0xbe: {  	_ =	sfence.sel $0xFFFF  }
0xbf: {  	[dreg:$0x0] =	wrdreg $0xFFFFFFFF;
	(pc) =	sbr.abs _section_cstart, $3  }
0xc0: {  	[dreg:$0x1] =	wrdreg $0xFFFFFFFF  }
0xc1: {  	_ =	task.clear_ibuf [dreg:s7], $0x2FFFF;
	_ =	strace $0x9FFFFFFF  }
0xc2: {  	(tm) =	ssettm $0x7FFFFFFF  }
0xc3: {  	_ =	shalt  }
tec
execute0_lowered:
.L_overlay_start_1:
0x0: {  	(tag) =	ssettag $0x1  }
0x1: {  	s0 =	srdreg.scid;
	s5 =	rddreg [dreg:$0x0]  }
0x2: {  	s2 =	rddreg [dreg:$0x1];
	s3 =	simm.s32 $0x0;
	s10 =	simm.s32 $0x1  }
0x3: {  	s11 =	simm.s32 $0xC380;
	s12 =	simm.s32 $0x80;
	s4 =	sand.u32 $0x1, s0  }
0x4: {  	s13 =	simm.s32 $0x400;
	s0 =	stileid.u32;
	s1 =	sshll.u32 s4, $0x4  }
0x5: {  	s14 =	simm.s32 $0x0;
	[smem:$0x7FF] =	sst s3;
	s6 =	sor.u32 s0, s1  }
0x6: {  	s8 =	sshll.u32 s0, $0x7;
	s7 =	sshrl.u32 s6, $0x3;
	s6 =	smul.u32 $0x6400, s6  }
0x7: {  	s4 =	ssub.s32 $0x2, s4;
	s1 =	rddreg [dreg:$0x2];
	s7 =	smul.u32 $0x61C00, s7  }
0x8: {  	s8 =	sand.u32 $0x380, s8;
	_ =	strace $0x80000047;
	s6 =	sshrl.u32 s6, $0x3  }
0x9: {  	s31 =	sshrl.u32 s4, $0x1;
	s7 =	sor.u32 s8, s7;
	s9 =	sadd.s32 s6, s5  }
0xa: {  	s8 =	ssub.s32 s4, s31;
	s7 =	sshrl.u32 s7, $0x3;
	s6 =	sadd.s32 $0x2800, s9  }
0xb: {  	s7 =	sadd.s32 s7, s5;
	s5 =	smax.u32 s8, $0x1;
	s8 =	sadd.s32 $0x2E40, s9  }
0xc: {  	v0 =	vimm.f32 $1.000000000e+00;
	s4 =	sadd.s32 $0x1B800, s7;
	s7 =	sadd.s32 $0x2B20, s9;
	s9 =	sadd.s32 $0x3160, s9  }
.LBB2_1:
0xd: {  	[tilespmem:s3], [sflag:$0x1] =	stream.linear.gather [hbm4b:s2+s3], $0xC380, $0x38;
	[tilespmem:$0xDC80] =	vst v63  }
0xe: {  	_ =	swait.ge [sflag:s10], $0xC380  }
0xf: {  	[sflag:s10] =	ssyncset.done $0x0  }
0x10: {  	[sflag:s10] =	ssyncadd.s32 $0xFFFF3C80  }
0x11: {  	[tilespmem:s11], [sflag:$0x1] =	stream.linear.gather [hbm4b:s6+s3], $0x1900, $0x38;
	[tilespmem:$0xDC80] =	vst v63  }
0x12: {  	_ =	swait.ge [sflag:s10], $0x1900  }
0x13: {  	[sflag:s10] =	ssyncset.done $0x0  }
0x14: {  	s16 =	simm.s32 $0x0;
	s15 =	simm.s32 $0x40;
	[sflag:s10] =	ssyncadd.s32 $0xFFFFE700  }
.LBB2_2:
0x15: {  	p0 =	sne.s32 s15, $0x63C0;
	v1 =	vld [tilespmem:s16+$0xC380];
	_ =	sdelay $0x4  }
0x16: {  	vm0 =	vlt.s32 v1, $0xC350  }
0x17: {  	v1 =	vnsel vm0, $0xC350, v1  }
.Ltmp0:
0x18: {  	(pc) =	sbr.rel @p0 .LBB2_2-.Ltmp0, $2  }
0x19: {  	_ =	sdelay $0x2  }
0x1a: {  	s16 =	sshra.s32 s15, $0x2;
	s15 =	sadd.s32 $0x40, s15;
	[tilespmem:v1+s3+$0x0] =	vst.idx.add.f32.msk $0xffff, v0  }
0x1b: {  	v1 =	vld [tilespmem:s16+$0xC380];
	_ =	sdelay $0x4  }
0x1c: {  	vm0 =	vlt.s32 v1, $0xC350  }
0x1d: {  	v1 =	vnsel vm0, $0xC350, v1;
	_ =	sdelay $0x4  }
0x1e: {  	s15 =	simm.s32 $0x0;
	[tilespmem:v1+s3+$0x0] =	vst.idx.add.f32.msk $0xffff, v0  }
0x1f: {  	[tilespmem:s11], [sflag:$0x1] =	stream.linear.gather [hbm4b:s7+s15], $0x1900, $0x38;
	[tilespmem:$0xDC80] =	vst v63  }
0x20: {  	_ =	swait.ge [sflag:s10], $0x1900  }
0x21: {  	[sflag:s10] =	ssyncset.done $0x0  }
0x22: {  	s16 =	simm.s32 $0x0;
	s15 =	simm.s32 $0x40;
	[sflag:s10] =	ssyncadd.s32 $0xFFFFE700  }
.LBB2_4:
0x23: {  	p0 =	sne.s32 s15, $0x63C0;
	v1 =	vld [tilespmem:s16+$0xC380];
	_ =	sdelay $0x4  }
0x24: {  	vm0 =	vlt.s32 v1, $0xC350  }
0x25: {  	v1 =	vnsel vm0, $0xC350, v1  }
.Ltmp1:
0x26: {  	(pc) =	sbr.rel @p0 .LBB2_4-.Ltmp1, $2  }
0x27: {  	_ =	sdelay $0x2  }
0x28: {  	s16 =	sshra.s32 s15, $0x2;
	s15 =	sadd.s32 $0x40, s15;
	[tilespmem:v1+s3+$0x0] =	vst.idx.add.f32.msk $0xffff, v0  }
0x29: {  	v1 =	vld [tilespmem:s16+$0xC380];
	_ =	sdelay $0x4  }
0x2a: {  	vm0 =	vlt.s32 v1, $0xC350  }
0x2b: {  	v1 =	vnsel vm0, $0xC350, v1;
	_ =	sdelay $0x4  }
0x2c: {  	s15 =	simm.s32 $0x0;
	[tilespmem:v1+s3+$0x0] =	vst.idx.add.f32.msk $0xffff, v0  }
0x2d: {  	[tilespmem:s11], [sflag:$0x1] =	stream.linear.gather [hbm4b:s8+s15], $0x1900, $0x38;
	[tilespmem:$0xDC80] =	vst v63  }
0x2e: {  	_ =	swait.ge [sflag:s10], $0x1900  }
0x2f: {  	[sflag:s10] =	ssyncset.done $0x0  }
0x30: {  	s16 =	simm.s32 $0x0;
	s15 =	simm.s32 $0x40;
	[sflag:s10] =	ssyncadd.s32 $0xFFFFE700  }
.LBB2_6:
0x31: {  	p0 =	sne.s32 s15, $0x63C0;
	v1 =	vld [tilespmem:s16+$0xC380];
	_ =	sdelay $0x4  }
0x32: {  	vm0 =	vlt.s32 v1, $0xC350  }
0x33: {  	v1 =	vnsel vm0, $0xC350, v1  }
.Ltmp2:
0x34: {  	(pc) =	sbr.rel @p0 .LBB2_6-.Ltmp2, $2  }
0x35: {  	_ =	sdelay $0x2  }
0x36: {  	s16 =	sshra.s32 s15, $0x2;
	s15 =	sadd.s32 $0x40, s15;
	[tilespmem:v1+s3+$0x0] =	vst.idx.add.f32.msk $0xffff, v0  }
0x37: {  	v1 =	vld [tilespmem:s16+$0xC380];
	_ =	sdelay $0x4  }
0x38: {  	vm0 =	vlt.s32 v1, $0xC350  }
0x39: {  	v1 =	vnsel vm0, $0xC350, v1;
	_ =	sdelay $0x4  }
0x3a: {  	s15 =	simm.s32 $0x0;
	[tilespmem:v1+s3+$0x0] =	vst.idx.add.f32.msk $0xffff, v0  }
0x3b: {  	[tilespmem:s11], [sflag:$0x1] =	stream.linear.gather [hbm4b:s9+s15], $0x1900, $0x38;
	[tilespmem:$0xDC80] =	vst v63  }
0x3c: {  	_ =	swait.ge [sflag:s10], $0x1900  }
0x3d: {  	[sflag:s10] =	ssyncset.done $0x0  }
0x3e: {  	s16 =	simm.s32 $0x0;
	s15 =	simm.s32 $0x40;
	[sflag:s10] =	ssyncadd.s32 $0xFFFFE700  }
.LBB2_8:
0x3f: {  	p0 =	sne.s32 s15, $0x63C0;
	v1 =	vld [tilespmem:s16+$0xC380];
	_ =	sdelay $0x4  }
0x40: {  	vm0 =	vlt.s32 v1, $0xC350  }
0x41: {  	v1 =	vnsel vm0, $0xC350, v1  }
.Ltmp3:
0x42: {  	(pc) =	sbr.rel @p0 .LBB2_8-.Ltmp3, $2  }
0x43: {  	_ =	sdelay $0x2  }
0x44: {  	s16 =	sshra.s32 s15, $0x2;
	s15 =	sadd.s32 $0x40, s15;
	[tilespmem:v1+s3+$0x0] =	vst.idx.add.f32.msk $0xffff, v0  }
0x45: {  	v1 =	vld [tilespmem:s16+$0xC380];
	_ =	sdelay $0x4  }
0x46: {  	vm0 =	vlt.s32 v1, $0xC350  }
0x47: {  	v1 =	vnsel vm0, $0xC350, v1;
	_ =	sdelay $0x2  }
0x48: {  	s14 =	sadd.s32 $0x1, s14  }
0x49: {  	p0 =	sne.s32 s14, s5  }
.Ltmp4:
0x4a: {  	[tilespmem:v1+s3+$0x0] =	vst.idx.add.f32.msk $0xffff, v0;
	(pc) =	sbr.rel @p0 .LBB2_1-.Ltmp4, $4  }
0x4b: {  	[hbm4b:s4+s12] =	stream.strided.scatter [tilespmem:s3], [sflag:$0x1], $0xC380, s13, s12, $0x38;
	[tilespmem:$0xDC80] =	vst v63  }
0x4c: {  	_ =	swait.ge [sflag:s10], $0xC380  }
0x4d: {  	[sflag:s10] =	ssyncset.done $0x0  }
0x4e: {  	[sflag:s10] =	ssyncadd.s32 $0xFFFF3C80  }
0x4f: {  	_ =	sfence.sel $0x180000  }
0x50: {  	[bflag:$0x0] =	sbarrier.arrive $0xFFFF  }
0x51: {  	p0 =	sne.s32 s0, $0x0;
	_ =	strace $0x90000047  }
0x52: {  	s0 =	sadd.s32 @!p0 $0x100000, s1;
	[bflag:$0x2] =	sbarrier.arrive $0xFFFF  }
0x53: {  	[sflag:s0] =	ssyncadd.tile.s32 @!p0 $0x1;
	_ =	shalt  }
.Lfunc_end2:
_tile_overlayer_lowered:
.L_overlay_start_2:
0x54: {  	(tag) =	ssettag $0x2  }
0x55: {  	s0 =	rddreg [dreg:$0x0];
	s2 =	stileid.u32  }
0x56: {  	s1 =	rddreg [dreg:$0x1];
	p0 =	sne.s32 s2, $0x0  }
0x57: {  	s3 =	rddreg [dreg:$0x2];
	[bflag:$0x3] =	sbarrier.arrive $0xFFFF;
	s2 =	simm.s32 @!p0 $0x1C01  }
0x58: {  	[timem:s3], [sflag:s2] =	dma.local @!p0 [hbm:s0], s1  }
0x59: {  	s0 =	simm.s32 @!p0 $0x1  }
0x5a: {  	_ =	swait.ge @!p0 [sflag:s0], s1  }
0x5b: {  	s1 =	ssub.s32 @!p0 $0x0, s1;
	[sflag:s0] =	ssyncset.done @!p0 $0x0  }
0x5c: {  	[sflag:s0] =	ssyncadd.s32 @!p0 s1  }
0x5d: {  	[bflag:$0x3] =	sbarrier.arrive $0xFFFF  }
0x5e: {  	_ =	shalt  }

</sc_bundles>
